<compile_context>
chip_gen: v7x
topology: tpu7x:2x2x1
jax: 0.10.2.dev20260603
libtpu: 0.0.44.dev20260713+nightly
codegen_flags: <defaults>
</compile_context>

<pallas_src>
import functools

import jax
import jax.numpy as jnp
from jax import lax
from jax.experimental import pallas as pl
from jax.experimental.pallas import tpu as pltpu
from jax.experimental.pallas import tpu_sc as plsc

_N = 10000
_E = 320000
_DF = 128
_DE = 16
_H = 73
_HP = 128
_HG = 80
_NG = 64

_NC = 2
_NS = 16
_NW = _NC * _NS
_EPW = _E // _NW
_K = 80
_NCHUNK = _EPW // _K
_KH = 128
_NFULL = _EPW // _KH
_KTAIL = _EPW - _NFULL * _KH



def _emlp_body(ef_ref, w1, b1, w2, b2, out_ref):
  ef = ef_ref[...]
  h = jnp.maximum(
      jnp.dot(ef, w1[...], preferred_element_type=jnp.float32) + b1[...], 0.0)
  z = jnp.dot(h, w2[...], preferred_element_type=jnp.float32) + b2[...]
  out_ref[...] = jax.nn.sigmoid(z)


def _edge_mlp(ef, w1, b1, w2, b2):
  be = 8000
  wout = w2.shape[1]
  full = lambda shape: pl.BlockSpec(shape, lambda i: (0, 0))
  return pl.pallas_call(
      _emlp_body,
      grid=(_E // be,),
      in_specs=[
          pl.BlockSpec((be, _DE), lambda i: (i, 0)),
          full(w1.shape), full(b1.shape), full(w2.shape), full(b2.shape),
      ],
      out_specs=pl.BlockSpec((be, wout), lambda i: (i, 0)),
      out_shape=jax.ShapeDtypeStruct((_E, wout), jnp.float32),
  )(ef, w1, b1, w2, b2)


def _lin_body(x_ref, w_ref, b_ref, o_ref):
  o_ref[...] = (jnp.dot(x_ref[...], w_ref[...],
                        preferred_element_type=jnp.float32) + b_ref[...])


def _linear(x, w, b):
  return pl.pallas_call(
      _lin_body,
      out_shape=jax.ShapeDtypeStruct((x.shape[0], w.shape[1]), jnp.float32),
  )(x, w, b)


def _mid_body(p_ref, w_ref, b_ref, o_ref):
  y = jnp.maximum(p_ref[0] + p_ref[1], 0.0)
  o_ref[...] = (jnp.dot(y, w_ref[...],
                        preferred_element_type=jnp.float32) + b_ref[...])


def _relu_sum_linear(p, w, b):
  return pl.pallas_call(
      _mid_body,
      out_shape=jax.ShapeDtypeStruct((p.shape[1], w.shape[1]), jnp.float32),
  )(p, w, b)


def _pool_body(b_ref, q_ref, o_ref):
  y = q_ref[0] + q_ref[1]
  g = lax.broadcasted_iota(jnp.int32, (_NG, _N), 0)
  m = (g == b_ref[...]).astype(jnp.float32)
  o_ref[...] = jnp.dot(m, y, preferred_element_type=jnp.float32)


def _pool(batch_row, q):
  return pl.pallas_call(
      _pool_body,
      out_shape=jax.ShapeDtypeStruct((_NG, 1), jnp.float32),
  )(batch_row, q)



_MESH = plsc.VectorSubcoreMesh(
    core_axis_name="c", subcore_axis_name="s", num_cores=_NC, num_subcores=_NS)


@functools.partial(
    pl.kernel,
    out_type=jax.ShapeDtypeStruct((_NC, _N, _HP), jnp.float32),
    mesh=_MESH,
    scratch_types=[
        pltpu.VMEM((_EPW,), jnp.int32),
        pltpu.VMEM((_KH,), jnp.int32),
        pltpu.VMEM((_KTAIL,), jnp.int32),
        pltpu.VMEM((_KH, _HP), jnp.float32),
        pltpu.VMEM((_KH, _HG), jnp.float32),
        pltpu.VMEM_SHARED((_N, _HP), jnp.float32),
        pltpu.SemaphoreType.DMA,
    ],
)
def _sc_layer(sup_hbm, gate_hbm, esrc_hbm, etgt_hbm, zer_hbm, out_hbm,
              esrc_all, etgt_v, etgt_t, rows_v, gate_v, acc_sh, sem):
  cid = lax.axis_index("c")
  sid = lax.axis_index("s")
  wid = cid * _NS + sid
  ebase = wid * _EPW

  pltpu.sync_copy(esrc_hbm.at[pl.ds(ebase, _EPW)], esrc_all)

  @pl.when(sid < 10)
  def _zero():
    pltpu.sync_copy(zer_hbm.at[pl.ds(sid * 1000, 1000)],
                    acc_sh.at[pl.ds(sid * 1000, 1000)])

  plsc.subcore_barrier()

  def do_chunk(off, k, etgt_ref):
    h1 = pltpu.async_copy(sup_hbm.at[esrc_all.at[pl.ds(off, k)]],
                          rows_v.at[pl.ds(0, k)], sem)
    h2 = pltpu.async_copy(gate_hbm.at[pl.ds(ebase + off, k)],
                          gate_v.at[pl.ds(0, k)], sem)
    h3 = pltpu.async_copy(etgt_hbm.at[pl.ds(ebase + off, k)], etgt_ref, sem)
    h1.wait()
    h2.wait()
    h3.wait()

    @plsc.parallel_loop(0, k, unroll=4)
    def edge(j):
      for t in range(5):
        sl = pl.ds(t * 16, 16)
        rows_v[j, sl] = rows_v[j, sl] * gate_v[j, sl]

    pltpu.sync_copy(rows_v.at[pl.ds(0, k)], acc_sh.at[etgt_ref], add=True)

  def chunk(i, carry):
    do_chunk(i * _KH, _KH, etgt_v)
    return carry

  lax.fori_loop(0, _NFULL, chunk, 0)
  do_chunk(_NFULL * _KH, _KTAIL, etgt_t)

  plsc.subcore_barrier()

  @pl.when(sid < 10)
  def _writeout():
    pltpu.sync_copy(acc_sh.at[pl.ds(sid * 1000, 1000)],
                    out_hbm.at[cid, pl.ds(sid * 1000, 1000)])


@functools.partial(
    pl.kernel,
    out_type=jax.ShapeDtypeStruct((_NC * _N,), jnp.float32),
    mesh=_MESH,
    compiler_params=pltpu.CompilerParams(needs_layout_passes=False),
    scratch_types=[
        pltpu.VMEM((_N,), jnp.float32),
        pltpu.VMEM((_EPW,), jnp.int32),
        pltpu.VMEM((_EPW,), jnp.float32),
        pltpu.VMEM((_K,), jnp.int32),
        pltpu.VMEM((_K,), jnp.float32),
        pltpu.VMEM((1000,), jnp.float32),
        pltpu.VMEM_SHARED((_N,), jnp.float32),
    ],
)
def _sc_layer_out(sup_hbm, gate_hbm, esrc_hbm, etgt_hbm, zer_hbm, out_hbm,
                  sup_v, esrc_all, gate_all, etgt_v, m_v, stage_v, acc_sh):
  cid = lax.axis_index("c")
  sid = lax.axis_index("s")
  wid = cid * _NS + sid
  ebase = wid * _EPW
  pltpu.sync_copy(sup_hbm, sup_v)
  pltpu.sync_copy(esrc_hbm.at[pl.ds(ebase, _EPW)], esrc_all)
  pltpu.sync_copy(gate_hbm.at[pl.ds(ebase, _EPW)], gate_all)

  @pl.when(sid < 10)
  def _zero():
    pltpu.sync_copy(zer_hbm.at[pl.ds(sid * 1000, 1000)], stage_v)
    pltpu.sync_copy(stage_v, acc_sh.at[pl.ds(sid * 1000, 1000)])

  plsc.subcore_barrier()

  def chunk(i, carry):
    pltpu.sync_copy(etgt_hbm.at[pl.ds(ebase + i * _K, _K)], etgt_v)

    def vec(j, c):
      sl = pl.ds(j * 16, 16)
      idx = esrc_all[pl.ds(i * _K + j * 16, 16)]
      vals = plsc.load_gather(sup_v, [idx])
      m_v[sl] = vals * gate_all[pl.ds(i * _K + j * 16, 16)]
      return c

    lax.fori_loop(0, _K // 16, vec, 0)
    pltpu.sync_copy(m_v, acc_sh.at[etgt_v], add=True)
    return carry

  lax.fori_loop(0, _NCHUNK, chunk, 0)
  plsc.subcore_barrier()

  @pl.when(sid < 10)
  def _writeout():
    pltpu.sync_copy(acc_sh.at[pl.ds(sid * 1000, 1000)], stage_v)
    pltpu.sync_copy(stage_v, out_hbm.at[pl.ds(cid * _N + sid * 1000, 1000)])



def kernel(node_features, edge_features, Esrc, Etgt, batch,
           Wgc_in, bgc_in, Wgc_mid, bgc_mid, Wgc_out, bgc_out,
           We1_in, be1_in, We2_in, be2_in,
           We1_mid, be1_mid, We2_mid, be2_mid,
           We1_out, be1_out, We2_out, be2_out):
  f32 = jnp.float32

  def padw(w, cols):
    return jnp.pad(w, ((0, 0), (0, cols - w.shape[1])))

  def padw2(w, rows, cols):
    return jnp.pad(w, ((0, rows - w.shape[0]), (0, cols - w.shape[1])))

  def padb(b, cols):
    return jnp.pad(b, (0, cols - b.shape[0])).reshape(1, cols)

  efin = _edge_mlp(edge_features,
                   padw(We1_in, _HG), padb(be1_in, _HG),
                   padw2(We2_in, _HG, _HG), padb(be2_in, _HG))
  sup_in = _linear(node_features, padw(Wgc_in, _HP), padb(bgc_in, _HP))

  zer = jnp.zeros((_N, _HP), f32)
  p1 = _sc_layer(sup_in, efin, Esrc, Etgt, zer)
  efmid = _edge_mlp(edge_features,
                    padw(We1_mid, _HG), padb(be1_mid, _HG),
                    padw2(We2_mid, _HG, _HG), padb(be2_mid, _HG))
  efout = _edge_mlp(edge_features,
                    We1_out, be1_out.reshape(1, 1),
                    We2_out, be2_out.reshape(1, 1))
  sup_mid = _relu_sum_linear(p1, padw2(Wgc_mid, _HP, _HP), padb(bgc_mid, _HP))
  p2 = _sc_layer(sup_mid, efmid, Esrc, Etgt, zer)
  sup_out = _relu_sum_linear(
      p2, jnp.pad(Wgc_out, ((0, _HP - _H), (0, 0))), bgc_out.reshape(1, 1))

  y3 = _sc_layer_out(sup_out.reshape(_N), efout.reshape(_E), Esrc, Etgt,
                     jnp.zeros((_N,), f32))
  pooled = _pool(batch.reshape(1, _N), y3.reshape(_NC, _N, 1))
  return pooled

# --- scband reference (transcript-rebuilt; emitter-appended) ---
"""Pipeline reference for scband-edge-gcn-k-sum-5076651344425 (READ-ONLY COPY).

The authoritative reference and input builder live on the scoring server;
editing this copy changes nothing except your own understanding.
"""

import jax, jax.numpy as jnp
import numpy as np

N = 10000
E = 320000
DF = 128
DE = 16
H = 73
OUT = 1
NG = 64


def setup_inputs(seed: int = 0) -> dict:
    key = jax.random.key(seed)
    ks = jax.random.split(key, 24)
    inp = {}
    inp["node_features"] = jax.random.normal(ks[0], (N, DF), dtype=jnp.float32)
    inp["edge_features"] = jax.random.normal(ks[1], (E, DE), dtype=jnp.float32)
    inp["Esrc"] = jax.random.randint(ks[2], (E,), 0, N, dtype=jnp.int32)
    inp["Etgt"] = jax.random.randint(ks[3], (E,), 0, N, dtype=jnp.int32)
    inp["batch"] = jnp.sort(jax.random.randint(ks[4], (N,), 0, NG, dtype=jnp.int32))
    # EdgeGraphConvolution weights: gcin(DF->H), gcmid(H->H), gcout(H->OUT)
    inp["Wgc_in"] = 0.1 * jax.random.normal(ks[5], (DF, H), dtype=jnp.float32)
    inp["bgc_in"] = jnp.zeros((H,), dtype=jnp.float32)
    inp["Wgc_mid"] = 0.1 * jax.random.normal(ks[6], (H, H), dtype=jnp.float32)
    inp["bgc_mid"] = jnp.zeros((H,), dtype=jnp.float32)
    inp["Wgc_out"] = 0.1 * jax.random.normal(ks[7], (H, OUT), dtype=jnp.float32)
    inp["bgc_out"] = jnp.zeros((OUT,), dtype=jnp.float32)
    # EdgeEncoderMLP weights: two-layer MLP with sigmoid gate output
    inp["We1_in"] = 0.1 * jax.random.normal(ks[8], (DE, H), dtype=jnp.float32)
    inp["be1_in"] = jnp.zeros((H,), dtype=jnp.float32)
    inp["We2_in"] = 0.1 * jax.random.normal(ks[9], (H, H), dtype=jnp.float32)
    inp["be2_in"] = jnp.zeros((H,), dtype=jnp.float32)
    inp["We1_mid"] = 0.1 * jax.random.normal(ks[10], (DE, H), dtype=jnp.float32)
    inp["be1_mid"] = jnp.zeros((H,), dtype=jnp.float32)
    inp["We2_mid"] = 0.1 * jax.random.normal(ks[11], (H, H), dtype=jnp.float32)
    inp["be2_mid"] = jnp.zeros((H,), dtype=jnp.float32)
    inp["We1_out"] = 0.1 * jax.random.normal(ks[12], (DE, OUT), dtype=jnp.float32)
    inp["be1_out"] = jnp.zeros((OUT,), dtype=jnp.float32)
    inp["We2_out"] = 0.1 * jax.random.normal(ks[13], (OUT, OUT), dtype=jnp.float32)
    inp["be2_out"] = jnp.zeros((OUT,), dtype=jnp.float32)
    return inp


def _edge_mlp(ef, W1, b1, W2, b2):
    h = jax.nn.relu(ef @ W1 + b1)
    return jax.nn.sigmoid(h @ W2 + b2)


def _edge_gcn(x, Esrc, Etgt, egate, W, b):
    support = x @ W + b
    msg = support[Esrc] * egate
    return jax.ops.segment_sum(msg, Etgt, num_segments=N)


def reference(node_features, edge_features, Esrc, Etgt, batch,
              Wgc_in, bgc_in, Wgc_mid, bgc_mid, Wgc_out, bgc_out,
              We1_in, be1_in, We2_in, be2_in,
              We1_mid, be1_mid, We2_mid, be2_mid,
              We1_out, be1_out, We2_out, be2_out):
    efin = _edge_mlp(edge_features, We1_in, be1_in, We2_in, be2_in)
    efmid = _edge_mlp(edge_features, We1_mid, be1_mid, We2_mid, be2_mid)
    efout = _edge_mlp(edge_features, We1_out, be1_out, We2_out, be2_out)
    x = jax.nn.relu(_edge_gcn(node_features, Esrc, Etgt, efin, Wgc_in, bgc_in))
    # dropout is identity in eval mode
    x = jax.nn.relu(_edge_gcn(x, Esrc, Etgt, efmid, Wgc_mid, bgc_mid))
    x = _edge_gcn(x, Esrc, Etgt, efout, Wgc_out, bgc_out)
    pooled = jax.ops.segment_sum(x, batch, num_segments=NG)
    # type == 'regression' -> return pooled graph-level readout
    return pooled

if __name__ == "__main__":
    import jax
    _d = setup_inputs()
    print(jax.jit(kernel)(*tuple(_d.values())))

</pallas_src>

<mosaic_0001>
#map = affine_map<(d0, d1) -> (0, 0)>
#map1 = affine_map<(d0, d1) -> (0)>
#map2 = affine_map<(d0, d1) -> (0, 0, 0)>
module attributes {stable_mosaic.version = 14 : i64} {
  func.func @_sc_layer(%arg0: i32, %arg1: i32, %arg2: memref<10000x128xf32, #tpu.memory_space<hbm>>, %arg3: memref<320000x80xf32, #tpu.memory_space<hbm>>, %arg4: memref<320000xi32, #tpu.memory_space<hbm>>, %arg5: memref<320000xi32, #tpu.memory_space<hbm>>, %arg6: memref<10000x128xf32, #tpu.memory_space<hbm>>, %arg7: memref<2x10000x128xf32, #tpu.memory_space<hbm>>, %arg8: memref<10000xi32, #tpu.memory_space<vmem>>, %arg9: memref<128xi32, #tpu.memory_space<vmem>>, %arg10: memref<16xi32, #tpu.memory_space<vmem>>, %arg11: memref<128x128xf32, #tpu.memory_space<vmem>>, %arg12: memref<128x80xf32, #tpu.memory_space<vmem>>, %arg13: memref<10000x128xf32, #tpu.memory_space<vmem_shared>>, %arg14: memref<!tpu.dma_semaphore, #tpu.memory_space<semaphore_mem>>) attributes {dimension_semantics = [#tpu.dimension_semantics<core_parallel>, #tpu.dimension_semantics<subcore_parallel>], iteration_bounds = array<i64: 2, 16>, scalar_prefetch = 0 : i64, scratch_operands = 7 : i64, tpu.core_type = #tpu.core_type<sc_vector_subcore>, window_params = [{transform_indices = #map}, {transform_indices = #map}, {transform_indices = #map1}, {transform_indices = #map1}, {transform_indices = #map}, {transform_indices = #map2}]} {
    %mul3A = arith.constant 16 : i32
    %mul3A_0 = arith.muli %arg0, %mul3A : i32
    %add3A = arith.addi %mul3A_0, %arg1 : i32
    %mul3A_1 = arith.constant 10000 : i32
    %mul3A_2 = arith.muli %add3A, %mul3A_1 : i32
    "tpu.region"() ({
      %run_scoped3A = tpu.sem_alloc : memref<!tpu.dma_semaphore, #tpu.memory_space<semaphore_mem>>
      %dma_start3A_60 = tpu.memref_slice %arg4[%mul3A_2] : memref<320000xi32, #tpu.memory_space<hbm>> -> memref<10000xi32, #tpu.memory_space<hbm>>
      %dma_start3A_61 = tpu.memref_slice %arg4[%mul3A_2] : memref<320000xi32, #tpu.memory_space<hbm>> -> memref<10000xi32, #tpu.memory_space<hbm>>
      tpu.enqueue_dma source(%dma_start3A_61 : memref<10000xi32, #tpu.memory_space<hbm>>) target(%arg8 : memref<10000xi32, #tpu.memory_space<vmem>>) target_semaphore(%run_scoped3A : memref<!tpu.dma_semaphore, #tpu.memory_space<semaphore_mem>>)
      %dma_wait3A_62 = tpu.memref_slice %arg4[%mul3A_2] : memref<320000xi32, #tpu.memory_space<hbm>> -> memref<10000xi32, #tpu.memory_space<hbm>>
      %dma_wait3A_63 = tpu.memref_slice %arg4[%mul3A_2] : memref<320000xi32, #tpu.memory_space<hbm>> -> memref<10000xi32, #tpu.memory_space<hbm>>
      tpu.wait_dma2 semaphore(%run_scoped3A : memref<!tpu.dma_semaphore, #tpu.memory_space<semaphore_mem>>) src(%dma_wait3A_63 : memref<10000xi32, #tpu.memory_space<hbm>>) dst(%arg8 : memref<10000xi32, #tpu.memory_space<vmem>>)
      tpu.yield
    }) : () -> ()
    %lt3A = arith.constant 10 : i32
    %lt3A_3 = arith.cmpi slt, %arg1, %lt3A : i32
    %convert_element_type3A = arith.extui %lt3A_3 : i1 to i32
    %cond3A = arith.constant 0 : i32
    %cond3A_4 = arith.cmpi ne, %convert_element_type3A, %cond3A : i32
    scf.if %cond3A_4 {
      %mul3A_60 = arith.constant 1000 : i32
      %mul3A_61 = arith.muli %arg1, %mul3A_60 : i32
      %mul3A_62 = arith.constant 1000 : i32
      %mul3A_63 = arith.muli %arg1, %mul3A_62 : i32
      "tpu.region"() ({
        %run_scoped3A = tpu.sem_alloc : memref<!tpu.dma_semaphore, #tpu.memory_space<semaphore_mem>>
        %dma_start3A_64 = arith.constant 0 : i32
        %dma_start3A_65 = tpu.memref_slice %arg13[%mul3A_63, %dma_start3A_64] : memref<10000x128xf32, #tpu.memory_space<vmem_shared>> -> memref<1000x128xf32, #tpu.memory_space<vmem_shared>>
        %dma_start3A_66 = arith.constant 0 : i32
        %dma_start3A_67 = tpu.memref_slice %arg6[%mul3A_61, %dma_start3A_66] : memref<10000x128xf32, #tpu.memory_space<hbm>> -> memref<1000x128xf32, #tpu.memory_space<hbm>>
        tpu.enqueue_dma source(%dma_start3A_67 : memref<1000x128xf32, #tpu.memory_space<hbm>>) target(%dma_start3A_65 : memref<1000x128xf32, #tpu.memory_space<vmem_shared>>) target_semaphore(%run_scoped3A : memref<!tpu.dma_semaphore, #tpu.memory_space<semaphore_mem>>)
        %dma_wait3A_68 = arith.constant 0 : i32
        %dma_wait3A_69 = tpu.memref_slice %arg13[%mul3A_63, %dma_wait3A_68] : memref<10000x128xf32, #tpu.memory_space<vmem_shared>> -> memref<1000x128xf32, #tpu.memory_space<vmem_shared>>
        %dma_wait3A_70 = arith.constant 0 : i32
        %dma_wait3A_71 = tpu.memref_slice %arg6[%mul3A_61, %dma_wait3A_70] : memref<10000x128xf32, #tpu.memory_space<hbm>> -> memref<1000x128xf32, #tpu.memory_space<hbm>>
        tpu.wait_dma2 semaphore(%run_scoped3A : memref<!tpu.dma_semaphore, #tpu.memory_space<semaphore_mem>>) src(%dma_wait3A_71 : memref<1000x128xf32, #tpu.memory_space<hbm>>) dst(%dma_wait3A_69 : memref<1000x128xf32, #tpu.memory_space<vmem_shared>>)
        tpu.yield
      }) : () -> ()
    } else {
    }
    %barrier3A = arith.constant 0 : index
    tpu.barrier barrier_id(%barrier3A)
    %scan3A = arith.constant 0 : i32
    %scan3A_5 = arith.constant 0 : i32
    %scan3A_6 = arith.constant 78 : i32
    %scan3A_7 = arith.addi %scan3A_5, %scan3A_6 : i32
    %scan3A_8 = arith.constant 1 : i32
    scf.for %scan3A_60 = %scan3A_5 to %scan3A_7 step %scan3A_8  : i32 {
      %mul3A_61 = arith.constant 128 : i32
      %mul3A_62 = arith.muli %scan3A_60, %mul3A_61 : i32
      %dma_start3A_63 = arith.constant 0 : i32
      %dma_start3A_64 = arith.constant 0 : i32
      %dma_start3A_65 = tpu.memref_slice %arg11[%dma_start3A_63, %dma_start3A_64] : memref<128x128xf32, #tpu.memory_space<vmem>> -> memref<128x128xf32, #tpu.memory_space<vmem>>
      %dma_start3A_66 = tpu.memref_slice %arg8[%mul3A_62] : memref<10000xi32, #tpu.memory_space<vmem>> -> memref<128xi32, #tpu.memory_space<vmem>>
      %dma_start3A_67 = arith.constant 0 : i32
      %dma_start3A_68 = arith.constant 0 : i32
      %dma_start3A_69 = tpu.memref_slice %arg2[%dma_start3A_67, %dma_start3A_68] : memref<10000x128xf32, #tpu.memory_space<hbm>> -> memref<10000x128xf32, #tpu.memory_space<hbm>>
      tpu.enqueue_indirect_dma source(%dma_start3A_69 : memref<10000x128xf32, #tpu.memory_space<hbm>>) target(%dma_start3A_65 : memref<128x128xf32, #tpu.memory_space<vmem>>) offsets(%dma_start3A_66 : memref<128xi32, #tpu.memory_space<vmem>>) semaphore(%arg14 : memref<!tpu.dma_semaphore, #tpu.memory_space<semaphore_mem>>)
      %add3A_70 = arith.addi %mul3A_2, %mul3A_62 : i32
      %dma_start3A_71 = arith.constant 0 : i32
      %dma_start3A_72 = arith.constant 0 : i32
      %dma_start3A_73 = tpu.memref_slice %arg12[%dma_start3A_71, %dma_start3A_72] : memref<128x80xf32, #tpu.memory_space<vmem>> -> memref<128x80xf32, #tpu.memory_space<vmem>>
      %dma_start3A_74 = arith.constant 0 : i32
      %dma_start3A_75 = tpu.memref_slice %arg3[%add3A_70, %dma_start3A_74] : memref<320000x80xf32, #tpu.memory_space<hbm>> -> memref<128x80xf32, #tpu.memory_space<hbm>>
      %dma_start3A_76 = arith.constant 0 : i32
      %dma_start3A_77 = arith.constant 0 : i32
      %dma_start3A_78 = tpu.memref_slice %arg12[%dma_start3A_76, %dma_start3A_77] : memref<128x80xf32, #tpu.memory_space<vmem>> -> memref<128x80xf32, #tpu.memory_space<vmem>>
      %dma_start3A_79 = arith.constant 0 : i32
      %dma_start3A_80 = tpu.memref_slice %arg3[%add3A_70, %dma_start3A_79] : memref<320000x80xf32, #tpu.memory_space<hbm>> -> memref<128x80xf32, #tpu.memory_space<hbm>>
      tpu.enqueue_dma source(%dma_start3A_80 : memref<128x80xf32, #tpu.memory_space<hbm>>) target(%dma_start3A_78 : memref<128x80xf32, #tpu.memory_space<vmem>>) target_semaphore(%arg14 : memref<!tpu.dma_semaphore, #tpu.memory_space<semaphore_mem>>)
      %add3A_81 = arith.addi %mul3A_2, %mul3A_62 : i32
      %dma_start3A_82 = tpu.memref_slice %arg5[%add3A_81] : memref<320000xi32, #tpu.memory_space<hbm>> -> memref<128xi32, #tpu.memory_space<hbm>>
      %dma_start3A_83 = tpu.memref_slice %arg5[%add3A_81] : memref<320000xi32, #tpu.memory_space<hbm>> -> memref<128xi32, #tpu.memory_space<hbm>>
      tpu.enqueue_dma source(%dma_start3A_83 : memref<128xi32, #tpu.memory_space<hbm>>) target(%arg9 : memref<128xi32, #tpu.memory_space<vmem>>) target_semaphore(%arg14 : memref<!tpu.dma_semaphore, #tpu.memory_space<semaphore_mem>>)
      %dma_wait3A_84 = arith.constant 0 : i32
      %dma_wait3A_85 = arith.constant 0 : i32
      %dma_wait3A_86 = tpu.memref_slice %arg11[%dma_wait3A_84, %dma_wait3A_85] : memref<128x128xf32, #tpu.memory_space<vmem>> -> memref<128x128xf32, #tpu.memory_space<vmem>>
      %dma_wait3A_87 = tpu.memref_slice %arg8[%mul3A_62] : memref<10000xi32, #tpu.memory_space<vmem>> -> memref<128xi32, #tpu.memory_space<vmem>>
      %dma_wait3A_88 = arith.constant 0 : i32
      %dma_wait3A_89 = arith.constant 0 : i32
      %dma_wait3A_90 = tpu.memref_slice %arg2[%dma_wait3A_88, %dma_wait3A_89] : memref<10000x128xf32, #tpu.memory_space<hbm>> -> memref<10000x128xf32, #tpu.memory_space<hbm>>
      tpu.wait_indirect_dma semaphore(%arg14 : memref<!tpu.dma_semaphore, #tpu.memory_space<semaphore_mem>>) src(%dma_wait3A_90 : memref<10000x128xf32, #tpu.memory_space<hbm>>) dst(%dma_wait3A_86 : memref<128x128xf32, #tpu.memory_space<vmem>>)
      %dma_wait3A_91 = arith.constant 0 : i32
      %dma_wait3A_92 = arith.constant 0 : i32
      %dma_wait3A_93 = tpu.memref_slice %arg12[%dma_wait3A_91, %dma_wait3A_92] : memref<128x80xf32, #tpu.memory_space<vmem>> -> memref<128x80xf32, #tpu.memory_space<vmem>>
      %dma_wait3A_94 = arith.constant 0 : i32
      %dma_wait3A_95 = tpu.memref_slice %arg3[%add3A_70, %dma_wait3A_94] : memref<320000x80xf32, #tpu.memory_space<hbm>> -> memref<128x80xf32, #tpu.memory_space<hbm>>
      %dma_wait3A_96 = arith.constant 0 : i32
      %dma_wait3A_97 = arith.constant 0 : i32
      %dma_wait3A_98 = tpu.memref_slice %arg12[%dma_wait3A_96, %dma_wait3A_97] : memref<128x80xf32, #tpu.memory_space<vmem>> -> memref<128x80xf32, #tpu.memory_space<vmem>>
      %dma_wait3A_99 = arith.constant 0 : i32
      %dma_wait3A_100 = tpu.memref_slice %arg3[%add3A_70, %dma_wait3A_99] : memref<320000x80xf32, #tpu.memory_space<hbm>> -> memref<128x80xf32, #tpu.memory_space<hbm>>
      tpu.wait_dma2 semaphore(%arg14 : memref<!tpu.dma_semaphore, #tpu.memory_space<semaphore_mem>>) src(%dma_wait3A_100 : memref<128x80xf32, #tpu.memory_space<hbm>>) dst(%dma_wait3A_98 : memref<128x80xf32, #tpu.memory_space<vmem>>)
      %dma_wait3A_101 = tpu.memref_slice %arg5[%add3A_81] : memref<320000xi32, #tpu.memory_space<hbm>> -> memref<128xi32, #tpu.memory_space<hbm>>
      %dma_wait3A_102 = tpu.memref_slice %arg5[%add3A_81] : memref<320000xi32, #tpu.memory_space<hbm>> -> memref<128xi32, #tpu.memory_space<hbm>>
      tpu.wait_dma2 semaphore(%arg14 : memref<!tpu.dma_semaphore, #tpu.memory_space<semaphore_mem>>) src(%dma_wait3A_102 : memref<128xi32, #tpu.memory_space<hbm>>) dst(%arg9 : memref<128xi32, #tpu.memory_space<vmem>>)
      %parallel_loop3A_103 = arith.constant 0 : i32
      %parallel_loop3A_104 = arith.constant 128 : i32
      %parallel_loop3A_105 = arith.constant 1 : i32
      scf.for %parallel_loop3A_106 = %parallel_loop3A_103 to %parallel_loop3A_104 step %parallel_loop3A_105  : i32 {
        %parallel_loop3A_107 = arith.index_cast %parallel_loop3A_106 : i32 to index
        %parallel_loop3A_108 = arith.constant 0 : index
        %parallel_loop3A_109 = tpu.vector_load %arg11[%parallel_loop3A_107, %parallel_loop3A_108] {strides = array<i32>} : memref<128x128xf32, #tpu.memory_space<vmem>>, vector<1x16xf32>,
        %parallel_loop3A_110 = vector.shape_cast %parallel_loop3A_109 : vector<1x16xf32> to vector<16xf32>
        %parallel_loop3A_111 = arith.index_cast %parallel_loop3A_106 : i32 to index
        %parallel_loop3A_112 = arith.constant 0 : index
        %parallel_loop3A_113 = tpu.vector_load %arg12[%parallel_loop3A_111, %parallel_loop3A_112] {strides = array<i32>} : memref<128x80xf32, #tpu.memory_space<vmem>>, vector<1x16xf32>,
        %parallel_loop3A_114 = vector.shape_cast %parallel_loop3A_113 : vector<1x16xf32> to vector<16xf32>
        %parallel_loop3A_115 = arith.mulf %parallel_loop3A_110, %parallel_loop3A_114 : vector<16xf32>
        %parallel_loop3A_116 = arith.index_cast %parallel_loop3A_106 : i32 to index
        %parallel_loop3A_117 = arith.constant 0 : index
        %parallel_loop3A_118 = tpu.vector_load %arg11[%parallel_loop3A_116, %parallel_loop3A_117] {strides = array<i32>} : memref<128x128xf32, #tpu.memory_space<vmem>>, vector<1x16xf32>,
        %parallel_loop3A_119 = vector.shape_cast %parallel_loop3A_118 : vector<1x16xf32> to vector<16xf32>
        %parallel_loop3A_120 = vector.shape_cast %parallel_loop3A_115 : vector<16xf32> to vector<1x16xf32>
        tpu.vector_store %arg11[%parallel_loop3A_116, %parallel_loop3A_117], %parallel_loop3A_120 {strides = array<i32>} : memref<128x128xf32, #tpu.memory_space<vmem>>, vector<1x16xf32>,
        %parallel_loop3A_121 = arith.index_cast %parallel_loop3A_106 : i32 to index
        %parallel_loop3A_122 = arith.constant 16 : index
        %parallel_loop3A_123 = tpu.vector_load %arg11[%parallel_loop3A_121, %parallel_loop3A_122] {strides = array<i32>} : memref<128x128xf32, #tpu.memory_space<vmem>>, vector<1x16xf32>,
        %parallel_loop3A_124 = vector.shape_cast %parallel_loop3A_123 : vector<1x16xf32> to vector<16xf32>
        %parallel_loop3A_125 = arith.index_cast %parallel_loop3A_106 : i32 to index
        %parallel_loop3A_126 = arith.constant 16 : index
        %parallel_loop3A_127 = tpu.vector_load %arg12[%parallel_loop3A_125, %parallel_loop3A_126] {strides = array<i32>} : memref<128x80xf32, #tpu.memory_space<vmem>>, vector<1x16xf32>,
        %parallel_loop3A_128 = vector.shape_cast %parallel_loop3A_127 : vector<1x16xf32> to vector<16xf32>
        %parallel_loop3A_129 = arith.mulf %parallel_loop3A_124, %parallel_loop3A_128 : vector<16xf32>
        %parallel_loop3A_130 = arith.index_cast %parallel_loop3A_106 : i32 to index
        %parallel_loop3A_131 = arith.constant 16 : index
        %parallel_loop3A_132 = tpu.vector_load %arg11[%parallel_loop3A_130, %parallel_loop3A_131] {strides = array<i32>} : memref<128x128xf32, #tpu.memory_space<vmem>>, vector<1x16xf32>,
        %parallel_loop3A_133 = vector.shape_cast %parallel_loop3A_132 : vector<1x16xf32> to vector<16xf32>
        %parallel_loop3A_134 = vector.shape_cast %parallel_loop3A_129 : vector<16xf32> to vector<1x16xf32>
        tpu.vector_store %arg11[%parallel_loop3A_130, %parallel_loop3A_131], %parallel_loop3A_134 {strides = array<i32>} : memref<128x128xf32, #tpu.memory_space<vmem>>, vector<1x16xf32>,
        %parallel_loop3A_135 = arith.index_cast %parallel_loop3A_106 : i32 to index
        %parallel_loop3A_136 = arith.constant 32 : index
        %parallel_loop3A_137 = tpu.vector_load %arg11[%parallel_loop3A_135, %parallel_loop3A_136] {strides = array<i32>} : memref<128x128xf32, #tpu.memory_space<vmem>>, vector<1x16xf32>,
        %parallel_loop3A_138 = vector.shape_cast %parallel_loop3A_137 : vector<1x16xf32> to vector<16xf32>
        %parallel_loop3A_139 = arith.index_cast %parallel_loop3A_106 : i32 to index
        %parallel_loop3A_140 = arith.constant 32 : index
        %parallel_loop3A_141 = tpu.vector_load %arg12[%parallel_loop3A_139, %parallel_loop3A_140] {strides = array<i32>} : memref<128x80xf32, #tpu.memory_space<vmem>>, vector<1x16xf32>,
        %parallel_loop3A_142 = vector.shape_cast %parallel_loop3A_141 : vector<1x16xf32> to vector<16xf32>
        %parallel_loop3A_143 = arith.mulf %parallel_loop3A_138, %parallel_loop3A_142 : vector<16xf32>
        %parallel_loop3A_144 = arith.index_cast %parallel_loop3A_106 : i32 to index
        %parallel_loop3A_145 = arith.constant 32 : index
        %parallel_loop3A_146 = tpu.vector_load %arg11[%parallel_loop3A_144, %parallel_loop3A_145] {strides = array<i32>} : memref<128x128xf32, #tpu.memory_space<vmem>>, vector<1x16xf32>,
        %parallel_loop3A_147 = vector.shape_cast %parallel_loop3A_146 : vector<1x16xf32> to vector<16xf32>
        %parallel_loop3A_148 = vector.shape_cast %parallel_loop3A_143 : vector<16xf32> to vector<1x16xf32>
        tpu.vector_store %arg11[%parallel_loop3A_144, %parallel_loop3A_145], %parallel_loop3A_148 {strides = array<i32>} : memref<128x128xf32, #tpu.memory_space<vmem>>, vector<1x16xf32>,
        %parallel_loop3A_149 = arith.index_cast %parallel_loop3A_106 : i32 to index
        %parallel_loop3A_150 = arith.constant 48 : index
        %parallel_loop3A_151 = tpu.vector_load %arg11[%parallel_loop3A_149, %parallel_loop3A_150] {strides = array<i32>} : memref<128x128xf32, #tpu.memory_space<vmem>>, vector<1x16xf32>,
        %parallel_loop3A_152 = vector.shape_cast %parallel_loop3A_151 : vector<1x16xf32> to vector<16xf32>
        %parallel_loop3A_153 = arith.index_cast %parallel_loop3A_106 : i32 to index
        %parallel_loop3A_154 = arith.constant 48 : index
        %parallel_loop3A_155 = tpu.vector_load %arg12[%parallel_loop3A_153, %parallel_loop3A_154] {strides = array<i32>} : memref<128x80xf32, #tpu.memory_space<vmem>>, vector<1x16xf32>,
        %parallel_loop3A_156 = vector.shape_cast %parallel_loop3A_155 : vector<1x16xf32> to vector<16xf32>
        %parallel_loop3A_157 = arith.mulf %parallel_loop3A_152, %parallel_loop3A_156 : vector<16xf32>
        %parallel_loop3A_158 = arith.index_cast %parallel_loop3A_106 : i32 to index
        %parallel_loop3A_159 = arith.constant 48 : index
        %parallel_loop3A_160 = tpu.vector_load %arg11[%parallel_loop3A_158, %parallel_loop3A_159] {strides = array<i32>} : memref<128x128xf32, #tpu.memory_space<vmem>>, vector<1x16xf32>,
        %parallel_loop3A_161 = vector.shape_cast %parallel_loop3A_160 : vector<1x16xf32> to vector<16xf32>
        %parallel_loop3A_162 = vector.shape_cast %parallel_loop3A_157 : vector<16xf32> to vector<1x16xf32>
        tpu.vector_store %arg11[%parallel_loop3A_158, %parallel_loop3A_159], %parallel_loop3A_162 {strides = array<i32>} : memref<128x128xf32, #tpu.memory_space<vmem>>, vector<1x16xf32>,
        %parallel_loop3A_163 = arith.index_cast %parallel_loop3A_106 : i32 to index
        %parallel_loop3A_164 = arith.constant 64 : index
        %parallel_loop3A_165 = tpu.vector_load %arg11[%parallel_loop3A_163, %parallel_loop3A_164] {strides = array<i32>} : memref<128x128xf32, #tpu.memory_space<vmem>>, vector<1x16xf32>,
        %parallel_loop3A_166 = vector.shape_cast %parallel_loop3A_165 : vector<1x16xf32> to vector<16xf32>
        %parallel_loop3A_167 = arith.index_cast %parallel_loop3A_106 : i32 to index
        %parallel_loop3A_168 = arith.constant 64 : index
        %parallel_loop3A_169 = tpu.vector_load %arg12[%parallel_loop3A_167, %parallel_loop3A_168] {strides = array<i32>} : memref<128x80xf32, #tpu.memory_space<vmem>>, vector<1x16xf32>,
        %parallel_loop3A_170 = vector.shape_cast %parallel_loop3A_169 : vector<1x16xf32> to vector<16xf32>
        %parallel_loop3A_171 = arith.mulf %parallel_loop3A_166, %parallel_loop3A_170 : vector<16xf32>
        %parallel_loop3A_172 = arith.index_cast %parallel_loop3A_106 : i32 to index
        %parallel_loop3A_173 = arith.constant 64 : index
        %parallel_loop3A_174 = tpu.vector_load %arg11[%parallel_loop3A_172, %parallel_loop3A_173] {strides = array<i32>} : memref<128x128xf32, #tpu.memory_space<vmem>>, vector<1x16xf32>,
        %parallel_loop3A_175 = vector.shape_cast %parallel_loop3A_174 : vector<1x16xf32> to vector<16xf32>
        %parallel_loop3A_176 = vector.shape_cast %parallel_loop3A_171 : vector<16xf32> to vector<1x16xf32>
        tpu.vector_store %arg11[%parallel_loop3A_172, %parallel_loop3A_173], %parallel_loop3A_176 {strides = array<i32>} : memref<128x128xf32, #tpu.memory_space<vmem>>, vector<1x16xf32>,
      } {sc.loop_unroll_factor = 4 : i64, sc.parallel_access}
      "tpu.region"() ({
        %run_scoped3A = tpu.sem_alloc : memref<!tpu.dma_semaphore, #tpu.memory_space<semaphore_mem>>
        %dma_start3A_106 = arith.constant 0 : i32
        %dma_start3A_107 = arith.constant 0 : i32
        %dma_start3A_108 = tpu.memref_slice %arg11[%dma_start3A_106, %dma_start3A_107] : memref<128x128xf32, #tpu.memory_space<vmem>> -> memref<128x128xf32, #tpu.memory_space<vmem>>
        %dma_start3A_109 = arith.constant 0 : i32
        %dma_start3A_110 = arith.constant 0 : i32
        %dma_start3A_111 = tpu.memref_slice %arg13[%dma_start3A_109, %dma_start3A_110] : memref<10000x128xf32, #tpu.memory_space<vmem_shared>> -> memref<10000x128xf32, #tpu.memory_space<vmem_shared>>
        tpu.enqueue_indirect_dma source(%dma_start3A_108 : memref<128x128xf32, #tpu.memory_space<vmem>>) target(%dma_start3A_111 : memref<10000x128xf32, #tpu.memory_space<vmem_shared>>) offsets(%arg9 : memref<128xi32, #tpu.memory_space<vmem>>) semaphore(%run_scoped3A : memref<!tpu.dma_semaphore, #tpu.memory_space<semaphore_mem>>) {add = true}
        %dma_wait3A_112 = arith.constant 0 : i32
        %dma_wait3A_113 = arith.constant 0 : i32
        %dma_wait3A_114 = tpu.memref_slice %arg11[%dma_wait3A_112, %dma_wait3A_113] : memref<128x128xf32, #tpu.memory_space<vmem>> -> memref<128x128xf32, #tpu.memory_space<vmem>>
        %dma_wait3A_115 = arith.constant 0 : i32
        %dma_wait3A_116 = arith.constant 0 : i32
        %dma_wait3A_117 = tpu.memref_slice %arg13[%dma_wait3A_115, %dma_wait3A_116] : memref<10000x128xf32, #tpu.memory_space<vmem_shared>> -> memref<10000x128xf32, #tpu.memory_space<vmem_shared>>
        tpu.wait_indirect_dma semaphore(%run_scoped3A : memref<!tpu.dma_semaphore, #tpu.memory_space<semaphore_mem>>) src(%dma_wait3A_114 : memref<128x128xf32, #tpu.memory_space<vmem>>) dst(%dma_wait3A_117 : memref<10000x128xf32, #tpu.memory_space<vmem_shared>>)
        tpu.yield
      }) : () -> ()
    }
    %scan3A_9 = arith.constant 78 : i32
    %dma_start3A = arith.constant 0 : i32
    %dma_start3A_10 = arith.constant 0 : i32
    %dma_start3A_11 = tpu.memref_slice %arg11[%dma_start3A, %dma_start3A_10] : memref<128x128xf32, #tpu.memory_space<vmem>> -> memref<16x128xf32, #tpu.memory_space<vmem>>
    %dma_start3A_12 = arith.constant 9984 : i32
    %dma_start3A_13 = tpu.memref_slice %arg8[%dma_start3A_12] : memref<10000xi32, #tpu.memory_space<vmem>> -> memref<16xi32, #tpu.memory_space<vmem>>
    %dma_start3A_14 = arith.constant 0 : i32
    %dma_start3A_15 = arith.constant 0 : i32
    %dma_start3A_16 = tpu.memref_slice %arg2[%dma_start3A_14, %dma_start3A_15] : memref<10000x128xf32, #tpu.memory_space<hbm>> -> memref<10000x128xf32, #tpu.memory_space<hbm>>
    tpu.enqueue_indirect_dma source(%dma_start3A_16 : memref<10000x128xf32, #tpu.memory_space<hbm>>) target(%dma_start3A_11 : memref<16x128xf32, #tpu.memory_space<vmem>>) offsets(%dma_start3A_13 : memref<16xi32, #tpu.memory_space<vmem>>) semaphore(%arg14 : memref<!tpu.dma_semaphore, #tpu.memory_space<semaphore_mem>>)
    %add3A_17 = arith.constant 9984 : i32
    %add3A_18 = arith.addi %mul3A_2, %add3A_17 : i32
    %dma_start3A_19 = arith.constant 0 : i32
    %dma_start3A_20 = arith.constant 0 : i32
    %dma_start3A_21 = tpu.memref_slice %arg12[%dma_start3A_19, %dma_start3A_20] : memref<128x80xf32, #tpu.memory_space<vmem>> -> memref<16x80xf32, #tpu.memory_space<vmem>>
    %dma_start3A_22 = arith.constant 0 : i32
    %dma_start3A_23 = tpu.memref_slice %arg3[%add3A_18, %dma_start3A_22] : memref<320000x80xf32, #tpu.memory_space<hbm>> -> memref<16x80xf32, #tpu.memory_space<hbm>>
    %dma_start3A_24 = arith.constant 0 : i32
    %dma_start3A_25 = arith.constant 0 : i32
    %dma_start3A_26 = tpu.memref_slice %arg12[%dma_start3A_24, %dma_start3A_25] : memref<128x80xf32, #tpu.memory_space<vmem>> -> memref<16x80xf32, #tpu.memory_space<vmem>>
    %dma_start3A_27 = arith.constant 0 : i32
    %dma_start3A_28 = tpu.memref_slice %arg3[%add3A_18, %dma_start3A_27] : memref<320000x80xf32, #tpu.memory_space<hbm>> -> memref<16x80xf32, #tpu.memory_space<hbm>>
    tpu.enqueue_dma source(%dma_start3A_28 : memref<16x80xf32, #tpu.memory_space<hbm>>) target(%dma_start3A_26 : memref<16x80xf32, #tpu.memory_space<vmem>>) target_semaphore(%arg14 : memref<!tpu.dma_semaphore, #tpu.memory_space<semaphore_mem>>)
    %add3A_29 = arith.constant 9984 : i32
    %add3A_30 = arith.addi %mul3A_2, %add3A_29 : i32
    %dma_start3A_31 = tpu.memref_slice %arg5[%add3A_30] : memref<320000xi32, #tpu.memory_space<hbm>> -> memref<16xi32, #tpu.memory_space<hbm>>
    %dma_start3A_32 = tpu.memref_slice %arg5[%add3A_30] : memref<320000xi32, #tpu.memory_space<hbm>> -> memref<16xi32, #tpu.memory_space<hbm>>
    tpu.enqueue_dma source(%dma_start3A_32 : memref<16xi32, #tpu.memory_space<hbm>>) target(%arg10 : memref<16xi32, #tpu.memory_space<vmem>>) target_semaphore(%arg14 : memref<!tpu.dma_semaphore, #tpu.memory_space<semaphore_mem>>)
    %dma_wait3A = arith.constant 0 : i32
    %dma_wait3A_33 = arith.constant 0 : i32
    %dma_wait3A_34 = tpu.memref_slice %arg11[%dma_wait3A, %dma_wait3A_33] : memref<128x128xf32, #tpu.memory_space<vmem>> -> memref<16x128xf32, #tpu.memory_space<vmem>>
    %dma_wait3A_35 = arith.constant 9984 : i32
    %dma_wait3A_36 = tpu.memref_slice %arg8[%dma_wait3A_35] : memref<10000xi32, #tpu.memory_space<vmem>> -> memref<16xi32, #tpu.memory_space<vmem>>
    %dma_wait3A_37 = arith.constant 0 : i32
    %dma_wait3A_38 = arith.constant 0 : i32
    %dma_wait3A_39 = tpu.memref_slice %arg2[%dma_wait3A_37, %dma_wait3A_38] : memref<10000x128xf32, #tpu.memory_space<hbm>> -> memref<10000x128xf32, #tpu.memory_space<hbm>>
    tpu.wait_indirect_dma semaphore(%arg14 : memref<!tpu.dma_semaphore, #tpu.memory_space<semaphore_mem>>) src(%dma_wait3A_39 : memref<10000x128xf32, #tpu.memory_space<hbm>>) dst(%dma_wait3A_34 : memref<16x128xf32, #tpu.memory_space<vmem>>)
    %dma_wait3A_40 = arith.constant 0 : i32
    %dma_wait3A_41 = arith.constant 0 : i32
    %dma_wait3A_42 = tpu.memref_slice %arg12[%dma_wait3A_40, %dma_wait3A_41] : memref<128x80xf32, #tpu.memory_space<vmem>> -> memref<16x80xf32, #tpu.memory_space<vmem>>
    %dma_wait3A_43 = arith.constant 0 : i32
    %dma_wait3A_44 = tpu.memref_slice %arg3[%add3A_18, %dma_wait3A_43] : memref<320000x80xf32, #tpu.memory_space<hbm>> -> memref<16x80xf32, #tpu.memory_space<hbm>>
    %dma_wait3A_45 = arith.constant 0 : i32
    %dma_wait3A_46 = arith.constant 0 : i32
    %dma_wait3A_47 = tpu.memref_slice %arg12[%dma_wait3A_45, %dma_wait3A_46] : memref<128x80xf32, #tpu.memory_space<vmem>> -> memref<16x80xf32, #tpu.memory_space<vmem>>
    %dma_wait3A_48 = arith.constant 0 : i32
    %dma_wait3A_49 = tpu.memref_slice %arg3[%add3A_18, %dma_wait3A_48] : memref<320000x80xf32, #tpu.memory_space<hbm>> -> memref<16x80xf32, #tpu.memory_space<hbm>>
    tpu.wait_dma2 semaphore(%arg14 : memref<!tpu.dma_semaphore, #tpu.memory_space<semaphore_mem>>) src(%dma_wait3A_49 : memref<16x80xf32, #tpu.memory_space<hbm>>) dst(%dma_wait3A_47 : memref<16x80xf32, #tpu.memory_space<vmem>>)
    %dma_wait3A_50 = tpu.memref_slice %arg5[%add3A_30] : memref<320000xi32, #tpu.memory_space<hbm>> -> memref<16xi32, #tpu.memory_space<hbm>>
    %dma_wait3A_51 = tpu.memref_slice %arg5[%add3A_30] : memref<320000xi32, #tpu.memory_space<hbm>> -> memref<16xi32, #tpu.memory_space<hbm>>
    tpu.wait_dma2 semaphore(%arg14 : memref<!tpu.dma_semaphore, #tpu.memory_space<semaphore_mem>>) src(%dma_wait3A_51 : memref<16xi32, #tpu.memory_space<hbm>>) dst(%arg10 : memref<16xi32, #tpu.memory_space<vmem>>)
    %parallel_loop3A = arith.constant 0 : i32
    %parallel_loop3A_52 = arith.constant 16 : i32
    %parallel_loop3A_53 = arith.constant 1 : i32
    scf.for %parallel_loop3A_60 = %parallel_loop3A to %parallel_loop3A_52 step %parallel_loop3A_53  : i32 {
      %parallel_loop3A_61 = arith.index_cast %parallel_loop3A_60 : i32 to index
      %parallel_loop3A_62 = arith.constant 0 : index
      %parallel_loop3A_63 = tpu.vector_load %arg11[%parallel_loop3A_61, %parallel_loop3A_62] {strides = array<i32>} : memref<128x128xf32, #tpu.memory_space<vmem>>, vector<1x16xf32>,
      %parallel_loop3A_64 = vector.shape_cast %parallel_loop3A_63 : vector<1x16xf32> to vector<16xf32>
      %parallel_loop3A_65 = arith.index_cast %parallel_loop3A_60 : i32 to index
      %parallel_loop3A_66 = arith.constant 0 : index
      %parallel_loop3A_67 = tpu.vector_load %arg12[%parallel_loop3A_65, %parallel_loop3A_66] {strides = array<i32>} : memref<128x80xf32, #tpu.memory_space<vmem>>, vector<1x16xf32>,
      %parallel_loop3A_68 = vector.shape_cast %parallel_loop3A_67 : vector<1x16xf32> to vector<16xf32>
      %parallel_loop3A_69 = arith.mulf %parallel_loop3A_64, %parallel_loop3A_68 : vector<16xf32>
      %parallel_loop3A_70 = arith.index_cast %parallel_loop3A_60 : i32 to index
      %parallel_loop3A_71 = arith.constant 0 : index
      %parallel_loop3A_72 = tpu.vector_load %arg11[%parallel_loop3A_70, %parallel_loop3A_71] {strides = array<i32>} : memref<128x128xf32, #tpu.memory_space<vmem>>, vector<1x16xf32>,
      %parallel_loop3A_73 = vector.shape_cast %parallel_loop3A_72 : vector<1x16xf32> to vector<16xf32>
      %parallel_loop3A_74 = vector.shape_cast %parallel_loop3A_69 : vector<16xf32> to vector<1x16xf32>
      tpu.vector_store %arg11[%parallel_loop3A_70, %parallel_loop3A_71], %parallel_loop3A_74 {strides = array<i32>} : memref<128x128xf32, #tpu.memory_space<vmem>>, vector<1x16xf32>,
      %parallel_loop3A_75 = arith.index_cast %parallel_loop3A_60 : i32 to index
      %parallel_loop3A_76 = arith.constant 16 : index
      %parallel_loop3A_77 = tpu.vector_load %arg11[%parallel_loop3A_75, %parallel_loop3A_76] {strides = array<i32>} : memref<128x128xf32, #tpu.memory_space<vmem>>, vector<1x16xf32>,
      %parallel_loop3A_78 = vector.shape_cast %parallel_loop3A_77 : vector<1x16xf32> to vector<16xf32>
      %parallel_loop3A_79 = arith.index_cast %parallel_loop3A_60 : i32 to index
      %parallel_loop3A_80 = arith.constant 16 : index
      %parallel_loop3A_81 = tpu.vector_load %arg12[%parallel_loop3A_79, %parallel_loop3A_80] {strides = array<i32>} : memref<128x80xf32, #tpu.memory_space<vmem>>, vector<1x16xf32>,
      %parallel_loop3A_82 = vector.shape_cast %parallel_loop3A_81 : vector<1x16xf32> to vector<16xf32>
      %parallel_loop3A_83 = arith.mulf %parallel_loop3A_78, %parallel_loop3A_82 : vector<16xf32>
      %parallel_loop3A_84 = arith.index_cast %parallel_loop3A_60 : i32 to index
      %parallel_loop3A_85 = arith.constant 16 : index
      %parallel_loop3A_86 = tpu.vector_load %arg11[%parallel_loop3A_84, %parallel_loop3A_85] {strides = array<i32>} : memref<128x128xf32, #tpu.memory_space<vmem>>, vector<1x16xf32>,
      %parallel_loop3A_87 = vector.shape_cast %parallel_loop3A_86 : vector<1x16xf32> to vector<16xf32>
      %parallel_loop3A_88 = vector.shape_cast %parallel_loop3A_83 : vector<16xf32> to vector<1x16xf32>
      tpu.vector_store %arg11[%parallel_loop3A_84, %parallel_loop3A_85], %parallel_loop3A_88 {strides = array<i32>} : memref<128x128xf32, #tpu.memory_space<vmem>>, vector<1x16xf32>,
      %parallel_loop3A_89 = arith.index_cast %parallel_loop3A_60 : i32 to index
      %parallel_loop3A_90 = arith.constant 32 : index
      %parallel_loop3A_91 = tpu.vector_load %arg11[%parallel_loop3A_89, %parallel_loop3A_90] {strides = array<i32>} : memref<128x128xf32, #tpu.memory_space<vmem>>, vector<1x16xf32>,
      %parallel_loop3A_92 = vector.shape_cast %parallel_loop3A_91 : vector<1x16xf32> to vector<16xf32>
      %parallel_loop3A_93 = arith.index_cast %parallel_loop3A_60 : i32 to index
      %parallel_loop3A_94 = arith.constant 32 : index
      %parallel_loop3A_95 = tpu.vector_load %arg12[%parallel_loop3A_93, %parallel_loop3A_94] {strides = array<i32>} : memref<128x80xf32, #tpu.memory_space<vmem>>, vector<1x16xf32>,
      %parallel_loop3A_96 = vector.shape_cast %parallel_loop3A_95 : vector<1x16xf32> to vector<16xf32>
      %parallel_loop3A_97 = arith.mulf %parallel_loop3A_92, %parallel_loop3A_96 : vector<16xf32>
      %parallel_loop3A_98 = arith.index_cast %parallel_loop3A_60 : i32 to index
      %parallel_loop3A_99 = arith.constant 32 : index
      %parallel_loop3A_100 = tpu.vector_load %arg11[%parallel_loop3A_98, %parallel_loop3A_99] {strides = array<i32>} : memref<128x128xf32, #tpu.memory_space<vmem>>, vector<1x16xf32>,
      %parallel_loop3A_101 = vector.shape_cast %parallel_loop3A_100 : vector<1x16xf32> to vector<16xf32>
      %parallel_loop3A_102 = vector.shape_cast %parallel_loop3A_97 : vector<16xf32> to vector<1x16xf32>
      tpu.vector_store %arg11[%parallel_loop3A_98, %parallel_loop3A_99], %parallel_loop3A_102 {strides = array<i32>} : memref<128x128xf32, #tpu.memory_space<vmem>>, vector<1x16xf32>,
      %parallel_loop3A_103 = arith.index_cast %parallel_loop3A_60 : i32 to index
      %parallel_loop3A_104 = arith.constant 48 : index
      %parallel_loop3A_105 = tpu.vector_load %arg11[%parallel_loop3A_103, %parallel_loop3A_104] {strides = array<i32>} : memref<128x128xf32, #tpu.memory_space<vmem>>, vector<1x16xf32>,
      %parallel_loop3A_106 = vector.shape_cast %parallel_loop3A_105 : vector<1x16xf32> to vector<16xf32>
      %parallel_loop3A_107 = arith.index_cast %parallel_loop3A_60 : i32 to index
      %parallel_loop3A_108 = arith.constant 48 : index
      %parallel_loop3A_109 = tpu.vector_load %arg12[%parallel_loop3A_107, %parallel_loop3A_108] {strides = array<i32>} : memref<128x80xf32, #tpu.memory_space<vmem>>, vector<1x16xf32>,
      %parallel_loop3A_110 = vector.shape_cast %parallel_loop3A_109 : vector<1x16xf32> to vector<16xf32>
      %parallel_loop3A_111 = arith.mulf %parallel_loop3A_106, %parallel_loop3A_110 : vector<16xf32>
      %parallel_loop3A_112 = arith.index_cast %parallel_loop3A_60 : i32 to index
      %parallel_loop3A_113 = arith.constant 48 : index
      %parallel_loop3A_114 = tpu.vector_load %arg11[%parallel_loop3A_112, %parallel_loop3A_113] {strides = array<i32>} : memref<128x128xf32, #tpu.memory_space<vmem>>, vector<1x16xf32>,
      %parallel_loop3A_115 = vector.shape_cast %parallel_loop3A_114 : vector<1x16xf32> to vector<16xf32>
      %parallel_loop3A_116 = vector.shape_cast %parallel_loop3A_111 : vector<16xf32> to vector<1x16xf32>
      tpu.vector_store %arg11[%parallel_loop3A_112, %parallel_loop3A_113], %parallel_loop3A_116 {strides = array<i32>} : memref<128x128xf32, #tpu.memory_space<vmem>>, vector<1x16xf32>,
      %parallel_loop3A_117 = arith.index_cast %parallel_loop3A_60 : i32 to index
      %parallel_loop3A_118 = arith.constant 64 : index
      %parallel_loop3A_119 = tpu.vector_load %arg11[%parallel_loop3A_117, %parallel_loop3A_118] {strides = array<i32>} : memref<128x128xf32, #tpu.memory_space<vmem>>, vector<1x16xf32>,
      %parallel_loop3A_120 = vector.shape_cast %parallel_loop3A_119 : vector<1x16xf32> to vector<16xf32>
      %parallel_loop3A_121 = arith.index_cast %parallel_loop3A_60 : i32 to index
      %parallel_loop3A_122 = arith.constant 64 : index
      %parallel_loop3A_123 = tpu.vector_load %arg12[%parallel_loop3A_121, %parallel_loop3A_122] {strides = array<i32>} : memref<128x80xf32, #tpu.memory_space<vmem>>, vector<1x16xf32>,
      %parallel_loop3A_124 = vector.shape_cast %parallel_loop3A_123 : vector<1x16xf32> to vector<16xf32>
      %parallel_loop3A_125 = arith.mulf %parallel_loop3A_120, %parallel_loop3A_124 : vector<16xf32>
      %parallel_loop3A_126 = arith.index_cast %parallel_loop3A_60 : i32 to index
      %parallel_loop3A_127 = arith.constant 64 : index
      %parallel_loop3A_128 = tpu.vector_load %arg11[%parallel_loop3A_126, %parallel_loop3A_127] {strides = array<i32>} : memref<128x128xf32, #tpu.memory_space<vmem>>, vector<1x16xf32>,
      %parallel_loop3A_129 = vector.shape_cast %parallel_loop3A_128 : vector<1x16xf32> to vector<16xf32>
      %parallel_loop3A_130 = vector.shape_cast %parallel_loop3A_125 : vector<16xf32> to vector<1x16xf32>
      tpu.vector_store %arg11[%parallel_loop3A_126, %parallel_loop3A_127], %parallel_loop3A_130 {strides = array<i32>} : memref<128x128xf32, #tpu.memory_space<vmem>>, vector<1x16xf32>,
    } {sc.loop_unroll_factor = 4 : i64, sc.parallel_access}
    "tpu.region"() ({
      %run_scoped3A = tpu.sem_alloc : memref<!tpu.dma_semaphore, #tpu.memory_space<semaphore_mem>>
      %dma_start3A_60 = arith.constant 0 : i32
      %dma_start3A_61 = arith.constant 0 : i32
      %dma_start3A_62 = tpu.memref_slice %arg11[%dma_start3A_60, %dma_start3A_61] : memref<128x128xf32, #tpu.memory_space<vmem>> -> memref<16x128xf32, #tpu.memory_space<vmem>>
      %dma_start3A_63 = arith.constant 0 : i32
      %dma_start3A_64 = arith.constant 0 : i32
      %dma_start3A_65 = tpu.memref_slice %arg13[%dma_start3A_63, %dma_start3A_64] : memref<10000x128xf32, #tpu.memory_space<vmem_shared>> -> memref<10000x128xf32, #tpu.memory_space<vmem_shared>>
      tpu.enqueue_indirect_dma source(%dma_start3A_62 : memref<16x128xf32, #tpu.memory_space<vmem>>) target(%dma_start3A_65 : memref<10000x128xf32, #tpu.memory_space<vmem_shared>>) offsets(%arg10 : memref<16xi32, #tpu.memory_space<vmem>>) semaphore(%run_scoped3A : memref<!tpu.dma_semaphore, #tpu.memory_space<semaphore_mem>>) {add = true}
      %dma_wait3A_66 = arith.constant 0 : i32
      %dma_wait3A_67 = arith.constant 0 : i32
      %dma_wait3A_68 = tpu.memref_slice %arg11[%dma_wait3A_66, %dma_wait3A_67] : memref<128x128xf32, #tpu.memory_space<vmem>> -> memref<16x128xf32, #tpu.memory_space<vmem>>
      %dma_wait3A_69 = arith.constant 0 : i32
      %dma_wait3A_70 = arith.constant 0 : i32
      %dma_wait3A_71 = tpu.memref_slice %arg13[%dma_wait3A_69, %dma_wait3A_70] : memref<10000x128xf32, #tpu.memory_space<vmem_shared>> -> memref<10000x128xf32, #tpu.memory_space<vmem_shared>>
      tpu.wait_indirect_dma semaphore(%run_scoped3A : memref<!tpu.dma_semaphore, #tpu.memory_space<semaphore_mem>>) src(%dma_wait3A_68 : memref<16x128xf32, #tpu.memory_space<vmem>>) dst(%dma_wait3A_71 : memref<10000x128xf32, #tpu.memory_space<vmem_shared>>)
      tpu.yield
    }) : () -> ()
    %barrier3A_54 = arith.constant 0 : index
    tpu.barrier barrier_id(%barrier3A_54)
    %lt3A_55 = arith.constant 10 : i32
    %lt3A_56 = arith.cmpi slt, %arg1, %lt3A_55 : i32
    %convert_element_type3A_57 = arith.extui %lt3A_56 : i1 to i32
    %cond3A_58 = arith.constant 0 : i32
    %cond3A_59 = arith.cmpi ne, %convert_element_type3A_57, %cond3A_58 : i32
    scf.if %cond3A_59 {
      %mul3A_60 = arith.constant 1000 : i32
      %mul3A_61 = arith.muli %arg1, %mul3A_60 : i32
      %mul3A_62 = arith.constant 1000 : i32
      %mul3A_63 = arith.muli %arg1, %mul3A_62 : i32
      "tpu.region"() ({
        %run_scoped3A = tpu.sem_alloc : memref<!tpu.dma_semaphore, #tpu.memory_space<semaphore_mem>>
        %dma_start3A_64 = arith.constant 0 : i32
        %dma_start3A_65 = tpu.memref_slice %arg7[%arg0, %mul3A_63, %dma_start3A_64] : memref<2x10000x128xf32, #tpu.memory_space<hbm>> -> memref<1x1000x128xf32, #tpu.memory_space<hbm>>
        %dma_start3A_66 = tpu.memref_squeeze %dma_start3A_65 : memref<1x1000x128xf32, #tpu.memory_space<hbm>> -> memref<1000x128xf32, #tpu.memory_space<hbm>>
        %dma_start3A_67 = arith.constant 0 : i32
        %dma_start3A_68 = tpu.memref_slice %arg13[%mul3A_61, %dma_start3A_67] : memref<10000x128xf32, #tpu.memory_space<vmem_shared>> -> memref<1000x128xf32, #tpu.memory_space<vmem_shared>>
        tpu.enqueue_dma source(%dma_start3A_68 : memref<1000x128xf32, #tpu.memory_space<vmem_shared>>) target(%dma_start3A_66 : memref<1000x128xf32, #tpu.memory_space<hbm>>) target_semaphore(%run_scoped3A : memref<!tpu.dma_semaphore, #tpu.memory_space<semaphore_mem>>)
        %dma_wait3A_69 = arith.constant 0 : i32
        %dma_wait3A_70 = tpu.memref_slice %arg7[%arg0, %mul3A_63, %dma_wait3A_69] : memref<2x10000x128xf32, #tpu.memory_space<hbm>> -> memref<1x1000x128xf32, #tpu.memory_space<hbm>>
        %dma_wait3A_71 = tpu.memref_squeeze %dma_wait3A_70 : memref<1x1000x128xf32, #tpu.memory_space<hbm>> -> memref<1000x128xf32, #tpu.memory_space<hbm>>
        %dma_wait3A_72 = arith.constant 0 : i32
        %dma_wait3A_73 = tpu.memref_slice %arg13[%mul3A_61, %dma_wait3A_72] : memref<10000x128xf32, #tpu.memory_space<vmem_shared>> -> memref<1000x128xf32, #tpu.memory_space<vmem_shared>>
        tpu.wait_dma2 semaphore(%run_scoped3A : memref<!tpu.dma_semaphore, #tpu.memory_space<semaphore_mem>>) src(%dma_wait3A_73 : memref<1000x128xf32, #tpu.memory_space<vmem_shared>>) dst(%dma_wait3A_71 : memref<1000x128xf32, #tpu.memory_space<hbm>>)
        tpu.yield
      }) : () -> ()
    } else {
    }
    return
  }
}

#map = affine_map<(d0, d1) -> (0, 0)>
#map1 = affine_map<(d0, d1) -> (0)>
#map2 = affine_map<(d0, d1) -> (0, 0, 0)>
module attributes {stable_mosaic.version = 14 : i64} {
  func.func @_sc_layer(%arg0: i32, %arg1: i32, %arg2: memref<10000x128xf32, #tpu.memory_space<hbm>>, %arg3: memref<320000x80xf32, #tpu.memory_space<hbm>>, %arg4: memref<320000xi32, #tpu.memory_space<hbm>>, %arg5: memref<320000xi32, #tpu.memory_space<hbm>>, %arg6: memref<10000x128xf32, #tpu.memory_space<hbm>>, %arg7: memref<2x10000x128xf32, #tpu.memory_space<hbm>>, %arg8: memref<10000xi32, #tpu.memory_space<vmem>>, %arg9: memref<128xi32, #tpu.memory_space<vmem>>, %arg10: memref<16xi32, #tpu.memory_space<vmem>>, %arg11: memref<128x128xf32, #tpu.memory_space<vmem>>, %arg12: memref<128x80xf32, #tpu.memory_space<vmem>>, %arg13: memref<10000x128xf32, #tpu.memory_space<vmem_shared>>, %arg14: memref<!tpu.dma_semaphore, #tpu.memory_space<semaphore_mem>>) attributes {dimension_semantics = [#tpu.dimension_semantics<core_parallel>, #tpu.dimension_semantics<subcore_parallel>], iteration_bounds = array<i64: 2, 16>, scalar_prefetch = 0 : i64, scratch_operands = 7 : i64, tpu.core_type = #tpu.core_type<sc_vector_subcore>, window_params = [{transform_indices = #map}, {transform_indices = #map}, {transform_indices = #map1}, {transform_indices = #map1}, {transform_indices = #map}, {transform_indices = #map2}]} {
    %mul3A = arith.constant 16 : i32
    %mul3A_0 = arith.muli %arg0, %mul3A : i32
    %add3A = arith.addi %mul3A_0, %arg1 : i32
    %mul3A_1 = arith.constant 10000 : i32
    %mul3A_2 = arith.muli %add3A, %mul3A_1 : i32
    "tpu.region"() ({
      %run_scoped3A = tpu.sem_alloc : memref<!tpu.dma_semaphore, #tpu.memory_space<semaphore_mem>>
      %dma_start3A_60 = tpu.memref_slice %arg4[%mul3A_2] : memref<320000xi32, #tpu.memory_space<hbm>> -> memref<10000xi32, #tpu.memory_space<hbm>>
      %dma_start3A_61 = tpu.memref_slice %arg4[%mul3A_2] : memref<320000xi32, #tpu.memory_space<hbm>> -> memref<10000xi32, #tpu.memory_space<hbm>>
      tpu.enqueue_dma source(%dma_start3A_61 : memref<10000xi32, #tpu.memory_space<hbm>>) target(%arg8 : memref<10000xi32, #tpu.memory_space<vmem>>) target_semaphore(%run_scoped3A : memref<!tpu.dma_semaphore, #tpu.memory_space<semaphore_mem>>)
      %dma_wait3A_62 = tpu.memref_slice %arg4[%mul3A_2] : memref<320000xi32, #tpu.memory_space<hbm>> -> memref<10000xi32, #tpu.memory_space<hbm>>
      %dma_wait3A_63 = tpu.memref_slice %arg4[%mul3A_2] : memref<320000xi32, #tpu.memory_space<hbm>> -> memref<10000xi32, #tpu.memory_space<hbm>>
      tpu.wait_dma2 semaphore(%run_scoped3A : memref<!tpu.dma_semaphore, #tpu.memory_space<semaphore_mem>>) src(%dma_wait3A_63 : memref<10000xi32, #tpu.memory_space<hbm>>) dst(%arg8 : memref<10000xi32, #tpu.memory_space<vmem>>)
      tpu.yield
    }) : () -> ()
    %lt3A = arith.constant 10 : i32
    %lt3A_3 = arith.cmpi slt, %arg1, %lt3A : i32
    %convert_element_type3A = arith.extui %lt3A_3 : i1 to i32
    %cond3A = arith.constant 0 : i32
    %cond3A_4 = arith.cmpi ne, %convert_element_type3A, %cond3A : i32
    scf.if %cond3A_4 {
      %mul3A_60 = arith.constant 1000 : i32
      %mul3A_61 = arith.muli %arg1, %mul3A_60 : i32
      %mul3A_62 = arith.constant 1000 : i32
      %mul3A_63 = arith.muli %arg1, %mul3A_62 : i32
      "tpu.region"() ({
        %run_scoped3A = tpu.sem_alloc : memref<!tpu.dma_semaphore, #tpu.memory_space<semaphore_mem>>
        %dma_start3A_64 = arith.constant 0 : i32
        %dma_start3A_65 = tpu.memref_slice %arg13[%mul3A_63, %dma_start3A_64] : memref<10000x128xf32, #tpu.memory_space<vmem_shared>> -> memref<1000x128xf32, #tpu.memory_space<vmem_shared>>
        %dma_start3A_66 = arith.constant 0 : i32
        %dma_start3A_67 = tpu.memref_slice %arg6[%mul3A_61, %dma_start3A_66] : memref<10000x128xf32, #tpu.memory_space<hbm>> -> memref<1000x128xf32, #tpu.memory_space<hbm>>
        tpu.enqueue_dma source(%dma_start3A_67 : memref<1000x128xf32, #tpu.memory_space<hbm>>) target(%dma_start3A_65 : memref<1000x128xf32, #tpu.memory_space<vmem_shared>>) target_semaphore(%run_scoped3A : memref<!tpu.dma_semaphore, #tpu.memory_space<semaphore_mem>>)
        %dma_wait3A_68 = arith.constant 0 : i32
        %dma_wait3A_69 = tpu.memref_slice %arg13[%mul3A_63, %dma_wait3A_68] : memref<10000x128xf32, #tpu.memory_space<vmem_shared>> -> memref<1000x128xf32, #tpu.memory_space<vmem_shared>>
        %dma_wait3A_70 = arith.constant 0 : i32
        %dma_wait3A_71 = tpu.memref_slice %arg6[%mul3A_61, %dma_wait3A_70] : memref<10000x128xf32, #tpu.memory_space<hbm>> -> memref<1000x128xf32, #tpu.memory_space<hbm>>
        tpu.wait_dma2 semaphore(%run_scoped3A : memref<!tpu.dma_semaphore, #tpu.memory_space<semaphore_mem>>) src(%dma_wait3A_71 : memref<1000x128xf32, #tpu.memory_space<hbm>>) dst(%dma_wait3A_69 : memref<1000x128xf32, #tpu.memory_space<vmem_shared>>)
        tpu.yield
      }) : () -> ()
    } else {
    }
    %barrier3A = arith.constant 0 : index
    tpu.barrier barrier_id(%barrier3A)
    %scan3A = arith.constant 0 : i32
    %scan3A_5 = arith.constant 0 : i32
    %scan3A_6 = arith.constant 78 : i32
    %scan3A_7 = arith.addi %scan3A_5, %scan3A_6 : i32
    %scan3A_8 = arith.constant 1 : i32
    scf.for %scan3A_60 = %scan3A_5 to %scan3A_7 step %scan3A_8  : i32 {
      %mul3A_61 = arith.constant 128 : i32
      %mul3A_62 = arith.muli %scan3A_60, %mul3A_61 : i32
      %dma_start3A_63 = arith.constant 0 : i32
      %dma_start3A_64 = arith.constant 0 : i32
      %dma_start3A_65 = tpu.memref_slice %arg11[%dma_start3A_63, %dma_start3A_64] : memref<128x128xf32, #tpu.memory_space<vmem>> -> memref<128x128xf32, #tpu.memory_space<vmem>>
      %dma_start3A_66 = tpu.memref_slice %arg8[%mul3A_62] : memref<10000xi32, #tpu.memory_space<vmem>> -> memref<128xi32, #tpu.memory_space<vmem>>
      %dma_start3A_67 = arith.constant 0 : i32
      %dma_start3A_68 = arith.constant 0 : i32
      %dma_start3A_69 = tpu.memref_slice %arg2[%dma_start3A_67, %dma_start3A_68] : memref<10000x128xf32, #tpu.memory_space<hbm>> -> memref<10000x128xf32, #tpu.memory_space<hbm>>
      tpu.enqueue_indirect_dma source(%dma_start3A_69 : memref<10000x128xf32, #tpu.memory_space<hbm>>) target(%dma_start3A_65 : memref<128x128xf32, #tpu.memory_space<vmem>>) offsets(%dma_start3A_66 : memref<128xi32, #tpu.memory_space<vmem>>) semaphore(%arg14 : memref<!tpu.dma_semaphore, #tpu.memory_space<semaphore_mem>>)
      %add3A_70 = arith.addi %mul3A_2, %mul3A_62 : i32
      %dma_start3A_71 = arith.constant 0 : i32
      %dma_start3A_72 = arith.constant 0 : i32
      %dma_start3A_73 = tpu.memref_slice %arg12[%dma_start3A_71, %dma_start3A_72] : memref<128x80xf32, #tpu.memory_space<vmem>> -> memref<128x80xf32, #tpu.memory_space<vmem>>
      %dma_start3A_74 = arith.constant 0 : i32
      %dma_start3A_75 = tpu.memref_slice %arg3[%add3A_70, %dma_start3A_74] : memref<320000x80xf32, #tpu.memory_space<hbm>> -> memref<128x80xf32, #tpu.memory_space<hbm>>
      %dma_start3A_76 = arith.constant 0 : i32
      %dma_start3A_77 = arith.constant 0 : i32
      %dma_start3A_78 = tpu.memref_slice %arg12[%dma_start3A_76, %dma_start3A_77] : memref<128x80xf32, #tpu.memory_space<vmem>> -> memref<128x80xf32, #tpu.memory_space<vmem>>
      %dma_start3A_79 = arith.constant 0 : i32
      %dma_start3A_80 = tpu.memref_slice %arg3[%add3A_70, %dma_start3A_79] : memref<320000x80xf32, #tpu.memory_space<hbm>> -> memref<128x80xf32, #tpu.memory_space<hbm>>
      tpu.enqueue_dma source(%dma_start3A_80 : memref<128x80xf32, #tpu.memory_space<hbm>>) target(%dma_start3A_78 : memref<128x80xf32, #tpu.memory_space<vmem>>) target_semaphore(%arg14 : memref<!tpu.dma_semaphore, #tpu.memory_space<semaphore_mem>>)
      %add3A_81 = arith.addi %mul3A_2, %mul3A_62 : i32
      %dma_start3A_82 = tpu.memref_slice %arg5[%add3A_81] : memref<320000xi32, #tpu.memory_space<hbm>> -> memref<128xi32, #tpu.memory_space<hbm>>
      %dma_start3A_83 = tpu.memref_slice %arg5[%add3A_81] : memref<320000xi32, #tpu.memory_space<hbm>> -> memref<128xi32, #tpu.memory_space<hbm>>
      tpu.enqueue_dma source(%dma_start3A_83 : memref<128xi32, #tpu.memory_space<hbm>>) target(%arg9 : memref<128xi32, #tpu.memory_space<vmem>>) target_semaphore(%arg14 : memref<!tpu.dma_semaphore, #tpu.memory_space<semaphore_mem>>)
      %dma_wait3A_84 = arith.constant 0 : i32
      %dma_wait3A_85 = arith.constant 0 : i32
      %dma_wait3A_86 = tpu.memref_slice %arg11[%dma_wait3A_84, %dma_wait3A_85] : memref<128x128xf32, #tpu.memory_space<vmem>> -> memref<128x128xf32, #tpu.memory_space<vmem>>
      %dma_wait3A_87 = tpu.memref_slice %arg8[%mul3A_62] : memref<10000xi32, #tpu.memory_space<vmem>> -> memref<128xi32, #tpu.memory_space<vmem>>
      %dma_wait3A_88 = arith.constant 0 : i32
      %dma_wait3A_89 = arith.constant 0 : i32
      %dma_wait3A_90 = tpu.memref_slice %arg2[%dma_wait3A_88, %dma_wait3A_89] : memref<10000x128xf32, #tpu.memory_space<hbm>> -> memref<10000x128xf32, #tpu.memory_space<hbm>>
      tpu.wait_indirect_dma semaphore(%arg14 : memref<!tpu.dma_semaphore, #tpu.memory_space<semaphore_mem>>) src(%dma_wait3A_90 : memref<10000x128xf32, #tpu.memory_space<hbm>>) dst(%dma_wait3A_86 : memref<128x128xf32, #tpu.memory_space<vmem>>)
      %dma_wait3A_91 = arith.constant 0 : i32
      %dma_wait3A_92 = arith.constant 0 : i32
      %dma_wait3A_93 = tpu.memref_slice %arg12[%dma_wait3A_91, %dma_wait3A_92] : memref<128x80xf32, #tpu.memory_space<vmem>> -> memref<128x80xf32, #tpu.memory_space<vmem>>
      %dma_wait3A_94 = arith.constant 0 : i32
      %dma_wait3A_95 = tpu.memref_slice %arg3[%add3A_70, %dma_wait3A_94] : memref<320000x80xf32, #tpu.memory_space<hbm>> -> memref<128x80xf32, #tpu.memory_space<hbm>>
      %dma_wait3A_96 = arith.constant 0 : i32
      %dma_wait3A_97 = arith.constant 0 : i32
      %dma_wait3A_98 = tpu.memref_slice %arg12[%dma_wait3A_96, %dma_wait3A_97] : memref<128x80xf32, #tpu.memory_space<vmem>> -> memref<128x80xf32, #tpu.memory_space<vmem>>
      %dma_wait3A_99 = arith.constant 0 : i32
      %dma_wait3A_100 = tpu.memref_slice %arg3[%add3A_70, %dma_wait3A_99] : memref<320000x80xf32, #tpu.memory_space<hbm>> -> memref<128x80xf32, #tpu.memory_space<hbm>>
      tpu.wait_dma2 semaphore(%arg14 : memref<!tpu.dma_semaphore, #tpu.memory_space<semaphore_mem>>) src(%dma_wait3A_100 : memref<128x80xf32, #tpu.memory_space<hbm>>) dst(%dma_wait3A_98 : memref<128x80xf32, #tpu.memory_space<vmem>>)
      %dma_wait3A_101 = tpu.memref_slice %arg5[%add3A_81] : memref<320000xi32, #tpu.memory_space<hbm>> -> memref<128xi32, #tpu.memory_space<hbm>>
      %dma_wait3A_102 = tpu.memref_slice %arg5[%add3A_81] : memref<320000xi32, #tpu.memory_space<hbm>> -> memref<128xi32, #tpu.memory_space<hbm>>
      tpu.wait_dma2 semaphore(%arg14 : memref<!tpu.dma_semaphore, #tpu.memory_space<semaphore_mem>>) src(%dma_wait3A_102 : memref<128xi32, #tpu.memory_space<hbm>>) dst(%arg9 : memref<128xi32, #tpu.memory_space<vmem>>)
      %parallel_loop3A_103 = arith.constant 0 : i32
      %parallel_loop3A_104 = arith.constant 128 : i32
      %parallel_loop3A_105 = arith.constant 1 : i32
      scf.for %parallel_loop3A_106 = %parallel_loop3A_103 to %parallel_loop3A_104 step %parallel_loop3A_105  : i32 {
        %parallel_loop3A_107 = arith.index_cast %parallel_loop3A_106 : i32 to index
        %parallel_loop3A_108 = arith.constant 0 : index
        %parallel_loop3A_109 = tpu.vector_load %arg11[%parallel_loop3A_107, %parallel_loop3A_108] {strides = array<i32>} : memref<128x128xf32, #tpu.memory_space<vmem>>, vector<1x16xf32>,
        %parallel_loop3A_110 = vector.shape_cast %parallel_loop3A_109 : vector<1x16xf32> to vector<16xf32>
        %parallel_loop3A_111 = arith.index_cast %parallel_loop3A_106 : i32 to index
        %parallel_loop3A_112 = arith.constant 0 : index
        %parallel_loop3A_113 = tpu.vector_load %arg12[%parallel_loop3A_111, %parallel_loop3A_112] {strides = array<i32>} : memref<128x80xf32, #tpu.memory_space<vmem>>, vector<1x16xf32>,
        %parallel_loop3A_114 = vector.shape_cast %parallel_loop3A_113 : vector<1x16xf32> to vector<16xf32>
        %parallel_loop3A_115 = arith.mulf %parallel_loop3A_110, %parallel_loop3A_114 : vector<16xf32>
        %parallel_loop3A_116 = arith.index_cast %parallel_loop3A_106 : i32 to index
        %parallel_loop3A_117 = arith.constant 0 : index
        %parallel_loop3A_118 = tpu.vector_load %arg11[%parallel_loop3A_116, %parallel_loop3A_117] {strides = array<i32>} : memref<128x128xf32, #tpu.memory_space<vmem>>, vector<1x16xf32>,
        %parallel_loop3A_119 = vector.shape_cast %parallel_loop3A_118 : vector<1x16xf32> to vector<16xf32>
        %parallel_loop3A_120 = vector.shape_cast %parallel_loop3A_115 : vector<16xf32> to vector<1x16xf32>
        tpu.vector_store %arg11[%parallel_loop3A_116, %parallel_loop3A_117], %parallel_loop3A_120 {strides = array<i32>} : memref<128x128xf32, #tpu.memory_space<vmem>>, vector<1x16xf32>,
        %parallel_loop3A_121 = arith.index_cast %parallel_loop3A_106 : i32 to index
        %parallel_loop3A_122 = arith.constant 16 : index
        %parallel_loop3A_123 = tpu.vector_load %arg11[%parallel_loop3A_121, %parallel_loop3A_122] {strides = array<i32>} : memref<128x128xf32, #tpu.memory_space<vmem>>, vector<1x16xf32>,
        %parallel_loop3A_124 = vector.shape_cast %parallel_loop3A_123 : vector<1x16xf32> to vector<16xf32>
        %parallel_loop3A_125 = arith.index_cast %parallel_loop3A_106 : i32 to index
        %parallel_loop3A_126 = arith.constant 16 : index
        %parallel_loop3A_127 = tpu.vector_load %arg12[%parallel_loop3A_125, %parallel_loop3A_126] {strides = array<i32>} : memref<128x80xf32, #tpu.memory_space<vmem>>, vector<1x16xf32>,
        %parallel_loop3A_128 = vector.shape_cast %parallel_loop3A_127 : vector<1x16xf32> to vector<16xf32>
        %parallel_loop3A_129 = arith.mulf %parallel_loop3A_124, %parallel_loop3A_128 : vector<16xf32>
        %parallel_loop3A_130 = arith.index_cast %parallel_loop3A_106 : i32 to index
        %parallel_loop3A_131 = arith.constant 16 : index
        %parallel_loop3A_132 = tpu.vector_load %arg11[%parallel_loop3A_130, %parallel_loop3A_131] {strides = array<i32>} : memref<128x128xf32, #tpu.memory_space<vmem>>, vector<1x16xf32>,
        %parallel_loop3A_133 = vector.shape_cast %parallel_loop3A_132 : vector<1x16xf32> to vector<16xf32>
        %parallel_loop3A_134 = vector.shape_cast %parallel_loop3A_129 : vector<16xf32> to vector<1x16xf32>
        tpu.vector_store %arg11[%parallel_loop3A_130, %parallel_loop3A_131], %parallel_loop3A_134 {strides = array<i32>} : memref<128x128xf32, #tpu.memory_space<vmem>>, vector<1x16xf32>,
        %parallel_loop3A_135 = arith.index_cast %parallel_loop3A_106 : i32 to index
        %parallel_loop3A_136 = arith.constant 32 : index
        %parallel_loop3A_137 = tpu.vector_load %arg11[%parallel_loop3A_135, %parallel_loop3A_136] {strides = array<i32>} : memref<128x128xf32, #tpu.memory_space<vmem>>, vector<1x16xf32>,
        %parallel_loop3A_138 = vector.shape_cast %parallel_loop3A_137 : vector<1x16xf32> to vector<16xf32>
        %parallel_loop3A_139 = arith.index_cast %parallel_loop3A_106 : i32 to index
        %parallel_loop3A_140 = arith.constant 32 : index
        %parallel_loop3A_141 = tpu.vector_load %arg12[%parallel_loop3A_139, %parallel_loop3A_140] {strides = array<i32>} : memref<128x80xf32, #tpu.memory_space<vmem>>, vector<1x16xf32>,
        %parallel_loop3A_142 = vector.shape_cast %parallel_loop3A_141 : vector<1x16xf32> to vector<16xf32>
        %parallel_loop3A_143 = arith.mulf %parallel_loop3A_138, %parallel_loop3A_142 : vector<16xf32>
        %parallel_loop3A_144 = arith.index_cast %parallel_loop3A_106 : i32 to index
        %parallel_loop3A_145 = arith.constant 32 : index
        %parallel_loop3A_146 = tpu.vector_load %arg11[%parallel_loop3A_144, %parallel_loop3A_145] {strides = array<i32>} : memref<128x128xf32, #tpu.memory_space<vmem>>, vector<1x16xf32>,
        %parallel_loop3A_147 = vector.shape_cast %parallel_loop3A_146 : vector<1x16xf32> to vector<16xf32>
        %parallel_loop3A_148 = vector.shape_cast %parallel_loop3A_143 : vector<16xf32> to vector<1x16xf32>
        tpu.vector_store %arg11[%parallel_loop3A_144, %parallel_loop3A_145], %parallel_loop3A_148 {strides = array<i32>} : memref<128x128xf32, #tpu.memory_space<vmem>>, vector<1x16xf32>,
        %parallel_loop3A_149 = arith.index_cast %parallel_loop3A_106 : i32 to index
        %parallel_loop3A_150 = arith.constant 48 : index
        %parallel_loop3A_151 = tpu.vector_load %arg11[%parallel_loop3A_149, %parallel_loop3A_150] {strides = array<i32>} : memref<128x128xf32, #tpu.memory_space<vmem>>, vector<1x16xf32>,
        %parallel_loop3A_152 = vector.shape_cast %parallel_loop3A_151 : vector<1x16xf32> to vector<16xf32>
        %parallel_loop3A_153 = arith.index_cast %parallel_loop3A_106 : i32 to index
        %parallel_loop3A_154 = arith.constant 48 : index
        %parallel_loop3A_155 = tpu.vector_load %arg12[%parallel_loop3A_153, %parallel_loop3A_154] {strides = array<i32>} : memref<128x80xf32, #tpu.memory_space<vmem>>, vector<1x16xf32>,
        %parallel_loop3A_156 = vector.shape_cast %parallel_loop3A_155 : vector<1x16xf32> to vector<16xf32>
        %parallel_loop3A_157 = arith.mulf %parallel_loop3A_152, %parallel_loop3A_156 : vector<16xf32>
        %parallel_loop3A_158 = arith.index_cast %parallel_loop3A_106 : i32 to index
        %parallel_loop3A_159 = arith.constant 48 : index
        %parallel_loop3A_160 = tpu.vector_load %arg11[%parallel_loop3A_158, %parallel_loop3A_159] {strides = array<i32>} : memref<128x128xf32, #tpu.memory_space<vmem>>, vector<1x16xf32>,
        %parallel_loop3A_161 = vector.shape_cast %parallel_loop3A_160 : vector<1x16xf32> to vector<16xf32>
        %parallel_loop3A_162 = vector.shape_cast %parallel_loop3A_157 : vector<16xf32> to vector<1x16xf32>
        tpu.vector_store %arg11[%parallel_loop3A_158, %parallel_loop3A_159], %parallel_loop3A_162 {strides = array<i32>} : memref<128x128xf32, #tpu.memory_space<vmem>>, vector<1x16xf32>,
        %parallel_loop3A_163 = arith.index_cast %parallel_loop3A_106 : i32 to index
        %parallel_loop3A_164 = arith.constant 64 : index
        %parallel_loop3A_165 = tpu.vector_load %arg11[%parallel_loop3A_163, %parallel_loop3A_164] {strides = array<i32>} : memref<128x128xf32, #tpu.memory_space<vmem>>, vector<1x16xf32>,
        %parallel_loop3A_166 = vector.shape_cast %parallel_loop3A_165 : vector<1x16xf32> to vector<16xf32>
        %parallel_loop3A_167 = arith.index_cast %parallel_loop3A_106 : i32 to index
        %parallel_loop3A_168 = arith.constant 64 : index
        %parallel_loop3A_169 = tpu.vector_load %arg12[%parallel_loop3A_167, %parallel_loop3A_168] {strides = array<i32>} : memref<128x80xf32, #tpu.memory_space<vmem>>, vector<1x16xf32>,
        %parallel_loop3A_170 = vector.shape_cast %parallel_loop3A_169 : vector<1x16xf32> to vector<16xf32>
        %parallel_loop3A_171 = arith.mulf %parallel_loop3A_166, %parallel_loop3A_170 : vector<16xf32>
        %parallel_loop3A_172 = arith.index_cast %parallel_loop3A_106 : i32 to index
        %parallel_loop3A_173 = arith.constant 64 : index
        %parallel_loop3A_174 = tpu.vector_load %arg11[%parallel_loop3A_172, %parallel_loop3A_173] {strides = array<i32>} : memref<128x128xf32, #tpu.memory_space<vmem>>, vector<1x16xf32>,
        %parallel_loop3A_175 = vector.shape_cast %parallel_loop3A_174 : vector<1x16xf32> to vector<16xf32>
        %parallel_loop3A_176 = vector.shape_cast %parallel_loop3A_171 : vector<16xf32> to vector<1x16xf32>
        tpu.vector_store %arg11[%parallel_loop3A_172, %parallel_loop3A_173], %parallel_loop3A_176 {strides = array<i32>} : memref<128x128xf32, #tpu.memory_space<vmem>>, vector<1x16xf32>,
      } {sc.loop_unroll_factor = 4 : i64, sc.parallel_access}
      "tpu.region"() ({
        %run_scoped3A = tpu.sem_alloc : memref<!tpu.dma_semaphore, #tpu.memory_space<semaphore_mem>>
        %dma_start3A_106 = arith.constant 0 : i32
        %dma_start3A_107 = arith.constant 0 : i32
        %dma_start3A_108 = tpu.memref_slice %arg11[%dma_start3A_106, %dma_start3A_107] : memref<128x128xf32, #tpu.memory_space<vmem>> -> memref<128x128xf32, #tpu.memory_space<vmem>>
        %dma_start3A_109 = arith.constant 0 : i32
        %dma_start3A_110 = arith.constant 0 : i32
        %dma_start3A_111 = tpu.memref_slice %arg13[%dma_start3A_109, %dma_start3A_110] : memref<10000x128xf32, #tpu.memory_space<vmem_shared>> -> memref<10000x128xf32, #tpu.memory_space<vmem_shared>>
        tpu.enqueue_indirect_dma source(%dma_start3A_108 : memref<128x128xf32, #tpu.memory_space<vmem>>) target(%dma_start3A_111 : memref<10000x128xf32, #tpu.memory_space<vmem_shared>>) offsets(%arg9 : memref<128xi32, #tpu.memory_space<vmem>>) semaphore(%run_scoped3A : memref<!tpu.dma_semaphore, #tpu.memory_space<semaphore_mem>>) {add = true}
        %dma_wait3A_112 = arith.constant 0 : i32
        %dma_wait3A_113 = arith.constant 0 : i32
        %dma_wait3A_114 = tpu.memref_slice %arg11[%dma_wait3A_112, %dma_wait3A_113] : memref<128x128xf32, #tpu.memory_space<vmem>> -> memref<128x128xf32, #tpu.memory_space<vmem>>
        %dma_wait3A_115 = arith.constant 0 : i32
        %dma_wait3A_116 = arith.constant 0 : i32
        %dma_wait3A_117 = tpu.memref_slice %arg13[%dma_wait3A_115, %dma_wait3A_116] : memref<10000x128xf32, #tpu.memory_space<vmem_shared>> -> memref<10000x128xf32, #tpu.memory_space<vmem_shared>>
        tpu.wait_indirect_dma semaphore(%run_scoped3A : memref<!tpu.dma_semaphore, #tpu.memory_space<semaphore_mem>>) src(%dma_wait3A_114 : memref<128x128xf32, #tpu.memory_space<vmem>>) dst(%dma_wait3A_117 : memref<10000x128xf32, #tpu.memory_space<vmem_shared>>)
        tpu.yield
      }) : () -> ()
    }
    %scan3A_9 = arith.constant 78 : i32
    %dma_start3A = arith.constant 0 : i32
    %dma_start3A_10 = arith.constant 0 : i32
    %dma_start3A_11 = tpu.memref_slice %arg11[%dma_start3A, %dma_start3A_10] : memref<128x128xf32, #tpu.memory_space<vmem>> -> memref<16x128xf32, #tpu.memory_space<vmem>>
    %dma_start3A_12 = arith.constant 9984 : i32
    %dma_start3A_13 = tpu.memref_slice %arg8[%dma_start3A_12] : memref<10000xi32, #tpu.memory_space<vmem>> -> memref<16xi32, #tpu.memory_space<vmem>>
    %dma_start3A_14 = arith.constant 0 : i32
    %dma_start3A_15 = arith.constant 0 : i32
    %dma_start3A_16 = tpu.memref_slice %arg2[%dma_start3A_14, %dma_start3A_15] : memref<10000x128xf32, #tpu.memory_space<hbm>> -> memref<10000x128xf32, #tpu.memory_space<hbm>>
    tpu.enqueue_indirect_dma source(%dma_start3A_16 : memref<10000x128xf32, #tpu.memory_space<hbm>>) target(%dma_start3A_11 : memref<16x128xf32, #tpu.memory_space<vmem>>) offsets(%dma_start3A_13 : memref<16xi32, #tpu.memory_space<vmem>>) semaphore(%arg14 : memref<!tpu.dma_semaphore, #tpu.memory_space<semaphore_mem>>)
    %add3A_17 = arith.constant 9984 : i32
    %add3A_18 = arith.addi %mul3A_2, %add3A_17 : i32
    %dma_start3A_19 = arith.constant 0 : i32
    %dma_start3A_20 = arith.constant 0 : i32
    %dma_start3A_21 = tpu.memref_slice %arg12[%dma_start3A_19, %dma_start3A_20] : memref<128x80xf32, #tpu.memory_space<vmem>> -> memref<16x80xf32, #tpu.memory_space<vmem>>
    %dma_start3A_22 = arith.constant 0 : i32
    %dma_start3A_23 = tpu.memref_slice %arg3[%add3A_18, %dma_start3A_22] : memref<320000x80xf32, #tpu.memory_space<hbm>> -> memref<16x80xf32, #tpu.memory_space<hbm>>
    %dma_start3A_24 = arith.constant 0 : i32
    %dma_start3A_25 = arith.constant 0 : i32
    %dma_start3A_26 = tpu.memref_slice %arg12[%dma_start3A_24, %dma_start3A_25] : memref<128x80xf32, #tpu.memory_space<vmem>> -> memref<16x80xf32, #tpu.memory_space<vmem>>
    %dma_start3A_27 = arith.constant 0 : i32
    %dma_start3A_28 = tpu.memref_slice %arg3[%add3A_18, %dma_start3A_27] : memref<320000x80xf32, #tpu.memory_space<hbm>> -> memref<16x80xf32, #tpu.memory_space<hbm>>
    tpu.enqueue_dma source(%dma_start3A_28 : memref<16x80xf32, #tpu.memory_space<hbm>>) target(%dma_start3A_26 : memref<16x80xf32, #tpu.memory_space<vmem>>) target_semaphore(%arg14 : memref<!tpu.dma_semaphore, #tpu.memory_space<semaphore_mem>>)
    %add3A_29 = arith.constant 9984 : i32
    %add3A_30 = arith.addi %mul3A_2, %add3A_29 : i32
    %dma_start3A_31 = tpu.memref_slice %arg5[%add3A_30] : memref<320000xi32, #tpu.memory_space<hbm>> -> memref<16xi32, #tpu.memory_space<hbm>>
    %dma_start3A_32 = tpu.memref_slice %arg5[%add3A_30] : memref<320000xi32, #tpu.memory_space<hbm>> -> memref<16xi32, #tpu.memory_space<hbm>>
    tpu.enqueue_dma source(%dma_start3A_32 : memref<16xi32, #tpu.memory_space<hbm>>) target(%arg10 : memref<16xi32, #tpu.memory_space<vmem>>) target_semaphore(%arg14 : memref<!tpu.dma_semaphore, #tpu.memory_space<semaphore_mem>>)
    %dma_wait3A = arith.constant 0 : i32
    %dma_wait3A_33 = arith.constant 0 : i32
    %dma_wait3A_34 = tpu.memref_slice %arg11[%dma_wait3A, %dma_wait3A_33] : memref<128x128xf32, #tpu.memory_space<vmem>> -> memref<16x128xf32, #tpu.memory_space<vmem>>
    %dma_wait3A_35 = arith.constant 9984 : i32
    %dma_wait3A_36 = tpu.memref_slice %arg8[%dma_wait3A_35] : memref<10000xi32, #tpu.memory_space<vmem>> -> memref<16xi32, #tpu.memory_space<vmem>>
    %dma_wait3A_37 = arith.constant 0 : i32
    %dma_wait3A_38 = arith.constant 0 : i32
    %dma_wait3A_39 = tpu.memref_slice %arg2[%dma_wait3A_37, %dma_wait3A_38] : memref<10000x128xf32, #tpu.memory_space<hbm>> -> memref<10000x128xf32, #tpu.memory_space<hbm>>
    tpu.wait_indirect_dma semaphore(%arg14 : memref<!tpu.dma_semaphore, #tpu.memory_space<semaphore_mem>>) src(%dma_wait3A_39 : memref<10000x128xf32, #tpu.memory_space<hbm>>) dst(%dma_wait3A_34 : memref<16x128xf32, #tpu.memory_space<vmem>>)
    %dma_wait3A_40 = arith.constant 0 : i32
    %dma_wait3A_41 = arith.constant 0 : i32
    %dma_wait3A_42 = tpu.memref_slice %arg12[%dma_wait3A_40, %dma_wait3A_41] : memref<128x80xf32, #tpu.memory_space<vmem>> -> memref<16x80xf32, #tpu.memory_space<vmem>>
    %dma_wait3A_43 = arith.constant 0 : i32
    %dma_wait3A_44 = tpu.memref_slice %arg3[%add3A_18, %dma_wait3A_43] : memref<320000x80xf32, #tpu.memory_space<hbm>> -> memref<16x80xf32, #tpu.memory_space<hbm>>
    %dma_wait3A_45 = arith.constant 0 : i32
    %dma_wait3A_46 = arith.constant 0 : i32
    %dma_wait3A_47 = tpu.memref_slice %arg12[%dma_wait3A_45, %dma_wait3A_46] : memref<128x80xf32, #tpu.memory_space<vmem>> -> memref<16x80xf32, #tpu.memory_space<vmem>>
    %dma_wait3A_48 = arith.constant 0 : i32
    %dma_wait3A_49 = tpu.memref_slice %arg3[%add3A_18, %dma_wait3A_48] : memref<320000x80xf32, #tpu.memory_space<hbm>> -> memref<16x80xf32, #tpu.memory_space<hbm>>
    tpu.wait_dma2 semaphore(%arg14 : memref<!tpu.dma_semaphore, #tpu.memory_space<semaphore_mem>>) src(%dma_wait3A_49 : memref<16x80xf32, #tpu.memory_space<hbm>>) dst(%dma_wait3A_47 : memref<16x80xf32, #tpu.memory_space<vmem>>)
    %dma_wait3A_50 = tpu.memref_slice %arg5[%add3A_30] : memref<320000xi32, #tpu.memory_space<hbm>> -> memref<16xi32, #tpu.memory_space<hbm>>
    %dma_wait3A_51 = tpu.memref_slice %arg5[%add3A_30] : memref<320000xi32, #tpu.memory_space<hbm>> -> memref<16xi32, #tpu.memory_space<hbm>>
    tpu.wait_dma2 semaphore(%arg14 : memref<!tpu.dma_semaphore, #tpu.memory_space<semaphore_mem>>) src(%dma_wait3A_51 : memref<16xi32, #tpu.memory_space<hbm>>) dst(%arg10 : memref<16xi32, #tpu.memory_space<vmem>>)
    %parallel_loop3A = arith.constant 0 : i32
    %parallel_loop3A_52 = arith.constant 16 : i32
    %parallel_loop3A_53 = arith.constant 1 : i32
    scf.for %parallel_loop3A_60 = %parallel_loop3A to %parallel_loop3A_52 step %parallel_loop3A_53  : i32 {
      %parallel_loop3A_61 = arith.index_cast %parallel_loop3A_60 : i32 to index
      %parallel_loop3A_62 = arith.constant 0 : index
      %parallel_loop3A_63 = tpu.vector_load %arg11[%parallel_loop3A_61, %parallel_loop3A_62] {strides = array<i32>} : memref<128x128xf32, #tpu.memory_space<vmem>>, vector<1x16xf32>,
      %parallel_loop3A_64 = vector.shape_cast %parallel_loop3A_63 : vector<1x16xf32> to vector<16xf32>
      %parallel_loop3A_65 = arith.index_cast %parallel_loop3A_60 : i32 to index
      %parallel_loop3A_66 = arith.constant 0 : index
      %parallel_loop3A_67 = tpu.vector_load %arg12[%parallel_loop3A_65, %parallel_loop3A_66] {strides = array<i32>} : memref<128x80xf32, #tpu.memory_space<vmem>>, vector<1x16xf32>,
      %parallel_loop3A_68 = vector.shape_cast %parallel_loop3A_67 : vector<1x16xf32> to vector<16xf32>
      %parallel_loop3A_69 = arith.mulf %parallel_loop3A_64, %parallel_loop3A_68 : vector<16xf32>
      %parallel_loop3A_70 = arith.index_cast %parallel_loop3A_60 : i32 to index
      %parallel_loop3A_71 = arith.constant 0 : index
      %parallel_loop3A_72 = tpu.vector_load %arg11[%parallel_loop3A_70, %parallel_loop3A_71] {strides = array<i32>} : memref<128x128xf32, #tpu.memory_space<vmem>>, vector<1x16xf32>,
      %parallel_loop3A_73 = vector.shape_cast %parallel_loop3A_72 : vector<1x16xf32> to vector<16xf32>
      %parallel_loop3A_74 = vector.shape_cast %parallel_loop3A_69 : vector<16xf32> to vector<1x16xf32>
      tpu.vector_store %arg11[%parallel_loop3A_70, %parallel_loop3A_71], %parallel_loop3A_74 {strides = array<i32>} : memref<128x128xf32, #tpu.memory_space<vmem>>, vector<1x16xf32>,
      %parallel_loop3A_75 = arith.index_cast %parallel_loop3A_60 : i32 to index
      %parallel_loop3A_76 = arith.constant 16 : index
      %parallel_loop3A_77 = tpu.vector_load %arg11[%parallel_loop3A_75, %parallel_loop3A_76] {strides = array<i32>} : memref<128x128xf32, #tpu.memory_space<vmem>>, vector<1x16xf32>,
      %parallel_loop3A_78 = vector.shape_cast %parallel_loop3A_77 : vector<1x16xf32> to vector<16xf32>
      %parallel_loop3A_79 = arith.index_cast %parallel_loop3A_60 : i32 to index
      %parallel_loop3A_80 = arith.constant 16 : index
      %parallel_loop3A_81 = tpu.vector_load %arg12[%parallel_loop3A_79, %parallel_loop3A_80] {strides = array<i32>} : memref<128x80xf32, #tpu.memory_space<vmem>>, vector<1x16xf32>,
      %parallel_loop3A_82 = vector.shape_cast %parallel_loop3A_81 : vector<1x16xf32> to vector<16xf32>
      %parallel_loop3A_83 = arith.mulf %parallel_loop3A_78, %parallel_loop3A_82 : vector<16xf32>
      %parallel_loop3A_84 = arith.index_cast %parallel_loop3A_60 : i32 to index
      %parallel_loop3A_85 = arith.constant 16 : index
      %parallel_loop3A_86 = tpu.vector_load %arg11[%parallel_loop3A_84, %parallel_loop3A_85] {strides = array<i32>} : memref<128x128xf32, #tpu.memory_space<vmem>>, vector<1x16xf32>,
      %parallel_loop3A_87 = vector.shape_cast %parallel_loop3A_86 : vector<1x16xf32> to vector<16xf32>
      %parallel_loop3A_88 = vector.shape_cast %parallel_loop3A_83 : vector<16xf32> to vector<1x16xf32>
      tpu.vector_store %arg11[%parallel_loop3A_84, %parallel_loop3A_85], %parallel_loop3A_88 {strides = array<i32>} : memref<128x128xf32, #tpu.memory_space<vmem>>, vector<1x16xf32>,
      %parallel_loop3A_89 = arith.index_cast %parallel_loop3A_60 : i32 to index
      %parallel_loop3A_90 = arith.constant 32 : index
      %parallel_loop3A_91 = tpu.vector_load %arg11[%parallel_loop3A_89, %parallel_loop3A_90] {strides = array<i32>} : memref<128x128xf32, #tpu.memory_space<vmem>>, vector<1x16xf32>,
      %parallel_loop3A_92 = vector.shape_cast %parallel_loop3A_91 : vector<1x16xf32> to vector<16xf32>
      %parallel_loop3A_93 = arith.index_cast %parallel_loop3A_60 : i32 to index
      %parallel_loop3A_94 = arith.constant 32 : index
      %parallel_loop3A_95 = tpu.vector_load %arg12[%parallel_loop3A_93, %parallel_loop3A_94] {strides = array<i32>} : memref<128x80xf32, #tpu.memory_space<vmem>>, vector<1x16xf32>,
      %parallel_loop3A_96 = vector.shape_cast %parallel_loop3A_95 : vector<1x16xf32> to vector<16xf32>
      %parallel_loop3A_97 = arith.mulf %parallel_loop3A_92, %parallel_loop3A_96 : vector<16xf32>
      %parallel_loop3A_98 = arith.index_cast %parallel_loop3A_60 : i32 to index
      %parallel_loop3A_99 = arith.constant 32 : index
      %parallel_loop3A_100 = tpu.vector_load %arg11[%parallel_loop3A_98, %parallel_loop3A_99] {strides = array<i32>} : memref<128x128xf32, #tpu.memory_space<vmem>>, vector<1x16xf32>,
      %parallel_loop3A_101 = vector.shape_cast %parallel_loop3A_100 : vector<1x16xf32> to vector<16xf32>
      %parallel_loop3A_102 = vector.shape_cast %parallel_loop3A_97 : vector<16xf32> to vector<1x16xf32>
      tpu.vector_store %arg11[%parallel_loop3A_98, %parallel_loop3A_99], %parallel_loop3A_102 {strides = array<i32>} : memref<128x128xf32, #tpu.memory_space<vmem>>, vector<1x16xf32>,
      %parallel_loop3A_103 = arith.index_cast %parallel_loop3A_60 : i32 to index
      %parallel_loop3A_104 = arith.constant 48 : index
      %parallel_loop3A_105 = tpu.vector_load %arg11[%parallel_loop3A_103, %parallel_loop3A_104] {strides = array<i32>} : memref<128x128xf32, #tpu.memory_space<vmem>>, vector<1x16xf32>,
      %parallel_loop3A_106 = vector.shape_cast %parallel_loop3A_105 : vector<1x16xf32> to vector<16xf32>
      %parallel_loop3A_107 = arith.index_cast %parallel_loop3A_60 : i32 to index
      %parallel_loop3A_108 = arith.constant 48 : index
      %parallel_loop3A_109 = tpu.vector_load %arg12[%parallel_loop3A_107, %parallel_loop3A_108] {strides = array<i32>} : memref<128x80xf32, #tpu.memory_space<vmem>>, vector<1x16xf32>,
      %parallel_loop3A_110 = vector.shape_cast %parallel_loop3A_109 : vector<1x16xf32> to vector<16xf32>
      %parallel_loop3A_111 = arith.mulf %parallel_loop3A_106, %parallel_loop3A_110 : vector<16xf32>
      %parallel_loop3A_112 = arith.index_cast %parallel_loop3A_60 : i32 to index
      %parallel_loop3A_113 = arith.constant 48 : index
      %parallel_loop3A_114 = tpu.vector_load %arg11[%parallel_loop3A_112, %parallel_loop3A_113] {strides = array<i32>} : memref<128x128xf32, #tpu.memory_space<vmem>>, vector<1x16xf32>,
      %parallel_loop3A_115 = vector.shape_cast %parallel_loop3A_114 : vector<1x16xf32> to vector<16xf32>
      %parallel_loop3A_116 = vector.shape_cast %parallel_loop3A_111 : vector<16xf32> to vector<1x16xf32>
      tpu.vector_store %arg11[%parallel_loop3A_112, %parallel_loop3A_113], %parallel_loop3A_116 {strides = array<i32>} : memref<128x128xf32, #tpu.memory_space<vmem>>, vector<1x16xf32>,
      %parallel_loop3A_117 = arith.index_cast %parallel_loop3A_60 : i32 to index
      %parallel_loop3A_118 = arith.constant 64 : index
      %parallel_loop3A_119 = tpu.vector_load %arg11[%parallel_loop3A_117, %parallel_loop3A_118] {strides = array<i32>} : memref<128x128xf32, #tpu.memory_space<vmem>>, vector<1x16xf32>,
      %parallel_loop3A_120 = vector.shape_cast %parallel_loop3A_119 : vector<1x16xf32> to vector<16xf32>
      %parallel_loop3A_121 = arith.index_cast %parallel_loop3A_60 : i32 to index
      %parallel_loop3A_122 = arith.constant 64 : index
      %parallel_loop3A_123 = tpu.vector_load %arg12[%parallel_loop3A_121, %parallel_loop3A_122] {strides = array<i32>} : memref<128x80xf32, #tpu.memory_space<vmem>>, vector<1x16xf32>,
      %parallel_loop3A_124 = vector.shape_cast %parallel_loop3A_123 : vector<1x16xf32> to vector<16xf32>
      %parallel_loop3A_125 = arith.mulf %parallel_loop3A_120, %parallel_loop3A_124 : vector<16xf32>
      %parallel_loop3A_126 = arith.index_cast %parallel_loop3A_60 : i32 to index
      %parallel_loop3A_127 = arith.constant 64 : index
      %parallel_loop3A_128 = tpu.vector_load %arg11[%parallel_loop3A_126, %parallel_loop3A_127] {strides = array<i32>} : memref<128x128xf32, #tpu.memory_space<vmem>>, vector<1x16xf32>,
      %parallel_loop3A_129 = vector.shape_cast %parallel_loop3A_128 : vector<1x16xf32> to vector<16xf32>
      %parallel_loop3A_130 = vector.shape_cast %parallel_loop3A_125 : vector<16xf32> to vector<1x16xf32>
      tpu.vector_store %arg11[%parallel_loop3A_126, %parallel_loop3A_127], %parallel_loop3A_130 {strides = array<i32>} : memref<128x128xf32, #tpu.memory_space<vmem>>, vector<1x16xf32>,
    } {sc.loop_unroll_factor = 4 : i64, sc.parallel_access}
    "tpu.region"() ({
      %run_scoped3A = tpu.sem_alloc : memref<!tpu.dma_semaphore, #tpu.memory_space<semaphore_mem>>
      %dma_start3A_60 = arith.constant 0 : i32
      %dma_start3A_61 = arith.constant 0 : i32
      %dma_start3A_62 = tpu.memref_slice %arg11[%dma_start3A_60, %dma_start3A_61] : memref<128x128xf32, #tpu.memory_space<vmem>> -> memref<16x128xf32, #tpu.memory_space<vmem>>
      %dma_start3A_63 = arith.constant 0 : i32
      %dma_start3A_64 = arith.constant 0 : i32
      %dma_start3A_65 = tpu.memref_slice %arg13[%dma_start3A_63, %dma_start3A_64] : memref<10000x128xf32, #tpu.memory_space<vmem_shared>> -> memref<10000x128xf32, #tpu.memory_space<vmem_shared>>
      tpu.enqueue_indirect_dma source(%dma_start3A_62 : memref<16x128xf32, #tpu.memory_space<vmem>>) target(%dma_start3A_65 : memref<10000x128xf32, #tpu.memory_space<vmem_shared>>) offsets(%arg10 : memref<16xi32, #tpu.memory_space<vmem>>) semaphore(%run_scoped3A : memref<!tpu.dma_semaphore, #tpu.memory_space<semaphore_mem>>) {add = true}
      %dma_wait3A_66 = arith.constant 0 : i32
      %dma_wait3A_67 = arith.constant 0 : i32
      %dma_wait3A_68 = tpu.memref_slice %arg11[%dma_wait3A_66, %dma_wait3A_67] : memref<128x128xf32, #tpu.memory_space<vmem>> -> memref<16x128xf32, #tpu.memory_space<vmem>>
      %dma_wait3A_69 = arith.constant 0 : i32
      %dma_wait3A_70 = arith.constant 0 : i32
      %dma_wait3A_71 = tpu.memref_slice %arg13[%dma_wait3A_69, %dma_wait3A_70] : memref<10000x128xf32, #tpu.memory_space<vmem_shared>> -> memref<10000x128xf32, #tpu.memory_space<vmem_shared>>
      tpu.wait_indirect_dma semaphore(%run_scoped3A : memref<!tpu.dma_semaphore, #tpu.memory_space<semaphore_mem>>) src(%dma_wait3A_68 : memref<16x128xf32, #tpu.memory_space<vmem>>) dst(%dma_wait3A_71 : memref<10000x128xf32, #tpu.memory_space<vmem_shared>>)
      tpu.yield
    }) : () -> ()
    %barrier3A_54 = arith.constant 0 : index
    tpu.barrier barrier_id(%barrier3A_54)
    %lt3A_55 = arith.constant 10 : i32
    %lt3A_56 = arith.cmpi slt, %arg1, %lt3A_55 : i32
    %convert_element_type3A_57 = arith.extui %lt3A_56 : i1 to i32
    %cond3A_58 = arith.constant 0 : i32
    %cond3A_59 = arith.cmpi ne, %convert_element_type3A_57, %cond3A_58 : i32
    scf.if %cond3A_59 {
      %mul3A_60 = arith.constant 1000 : i32
      %mul3A_61 = arith.muli %arg1, %mul3A_60 : i32
      %mul3A_62 = arith.constant 1000 : i32
      %mul3A_63 = arith.muli %arg1, %mul3A_62 : i32
      "tpu.region"() ({
        %run_scoped3A = tpu.sem_alloc : memref<!tpu.dma_semaphore, #tpu.memory_space<semaphore_mem>>
        %dma_start3A_64 = arith.constant 0 : i32
        %dma_start3A_65 = tpu.memref_slice %arg7[%arg0, %mul3A_63, %dma_start3A_64] : memref<2x10000x128xf32, #tpu.memory_space<hbm>> -> memref<1x1000x128xf32, #tpu.memory_space<hbm>>
        %dma_start3A_66 = tpu.memref_squeeze %dma_start3A_65 : memref<1x1000x128xf32, #tpu.memory_space<hbm>> -> memref<1000x128xf32, #tpu.memory_space<hbm>>
        %dma_start3A_67 = arith.constant 0 : i32
        %dma_start3A_68 = tpu.memref_slice %arg13[%mul3A_61, %dma_start3A_67] : memref<10000x128xf32, #tpu.memory_space<vmem_shared>> -> memref<1000x128xf32, #tpu.memory_space<vmem_shared>>
        tpu.enqueue_dma source(%dma_start3A_68 : memref<1000x128xf32, #tpu.memory_space<vmem_shared>>) target(%dma_start3A_66 : memref<1000x128xf32, #tpu.memory_space<hbm>>) target_semaphore(%run_scoped3A : memref<!tpu.dma_semaphore, #tpu.memory_space<semaphore_mem>>)
        %dma_wait3A_69 = arith.constant 0 : i32
        %dma_wait3A_70 = tpu.memref_slice %arg7[%arg0, %mul3A_63, %dma_wait3A_69] : memref<2x10000x128xf32, #tpu.memory_space<hbm>> -> memref<1x1000x128xf32, #tpu.memory_space<hbm>>
        %dma_wait3A_71 = tpu.memref_squeeze %dma_wait3A_70 : memref<1x1000x128xf32, #tpu.memory_space<hbm>> -> memref<1000x128xf32, #tpu.memory_space<hbm>>
        %dma_wait3A_72 = arith.constant 0 : i32
        %dma_wait3A_73 = tpu.memref_slice %arg13[%mul3A_61, %dma_wait3A_72] : memref<10000x128xf32, #tpu.memory_space<vmem_shared>> -> memref<1000x128xf32, #tpu.memory_space<vmem_shared>>
        tpu.wait_dma2 semaphore(%run_scoped3A : memref<!tpu.dma_semaphore, #tpu.memory_space<semaphore_mem>>) src(%dma_wait3A_73 : memref<1000x128xf32, #tpu.memory_space<vmem_shared>>) dst(%dma_wait3A_71 : memref<1000x128xf32, #tpu.memory_space<hbm>>)
        tpu.yield
      }) : () -> ()
    } else {
    }
    return
  }
}

#map = affine_map<(d0, d1) -> (0)>
module attributes {stable_mosaic.version = 14 : i64} {
  func.func @_sc_layer_out(%arg0: i32, %arg1: i32, %arg2: memref<10000xf32, #tpu.memory_space<hbm>>, %arg3: memref<320000xf32, #tpu.memory_space<hbm>>, %arg4: memref<320000xi32, #tpu.memory_space<hbm>>, %arg5: memref<320000xi32, #tpu.memory_space<hbm>>, %arg6: memref<10000xf32, #tpu.memory_space<hbm>>, %arg7: memref<20000xf32, #tpu.memory_space<hbm>>, %arg8: memref<10000xf32, #tpu.memory_space<vmem>>, %arg9: memref<10000xi32, #tpu.memory_space<vmem>>, %arg10: memref<10000xf32, #tpu.memory_space<vmem>>, %arg11: memref<80xi32, #tpu.memory_space<vmem>>, %arg12: memref<80xf32, #tpu.memory_space<vmem>>, %arg13: memref<1000xf32, #tpu.memory_space<vmem>>, %arg14: memref<10000xf32, #tpu.memory_space<vmem_shared>>) attributes {dimension_semantics = [#tpu.dimension_semantics<core_parallel>, #tpu.dimension_semantics<subcore_parallel>], iteration_bounds = array<i64: 2, 16>, scalar_prefetch = 0 : i64, scratch_operands = 7 : i64, tpu.core_type = #tpu.core_type<sc_vector_subcore>, window_params = [{transform_indices = #map}, {transform_indices = #map}, {transform_indices = #map}, {transform_indices = #map}, {transform_indices = #map}, {transform_indices = #map}]} {
    %mul3A = arith.constant 16 : i32
    %mul3A_0 = arith.muli %arg0, %mul3A : i32
    %add3A = arith.addi %mul3A_0, %arg1 : i32
    %mul3A_1 = arith.constant 10000 : i32
    %mul3A_2 = arith.muli %add3A, %mul3A_1 : i32
    "tpu.region"() ({
      %run_scoped3A = tpu.sem_alloc : memref<!tpu.dma_semaphore, #tpu.memory_space<semaphore_mem>>
      tpu.enqueue_dma source(%arg2 : memref<10000xf32, #tpu.memory_space<hbm>>) target(%arg8 : memref<10000xf32, #tpu.memory_space<vmem>>) target_semaphore(%run_scoped3A : memref<!tpu.dma_semaphore, #tpu.memory_space<semaphore_mem>>)
      tpu.wait_dma2 semaphore(%run_scoped3A : memref<!tpu.dma_semaphore, #tpu.memory_space<semaphore_mem>>) src(%arg2 : memref<10000xf32, #tpu.memory_space<hbm>>) dst(%arg8 : memref<10000xf32, #tpu.memory_space<vmem>>)
      tpu.yield
    }) : () -> ()
    "tpu.region"() ({
      %run_scoped3A = tpu.sem_alloc : memref<!tpu.dma_semaphore, #tpu.memory_space<semaphore_mem>>
      %dma_start3A = tpu.memref_slice %arg4[%mul3A_2] : memref<320000xi32, #tpu.memory_space<hbm>> -> memref<10000xi32, #tpu.memory_space<hbm>>
      %dma_start3A_16 = tpu.memref_slice %arg4[%mul3A_2] : memref<320000xi32, #tpu.memory_space<hbm>> -> memref<10000xi32, #tpu.memory_space<hbm>>
      tpu.enqueue_dma source(%dma_start3A_16 : memref<10000xi32, #tpu.memory_space<hbm>>) target(%arg9 : memref<10000xi32, #tpu.memory_space<vmem>>) target_semaphore(%run_scoped3A : memref<!tpu.dma_semaphore, #tpu.memory_space<semaphore_mem>>)
      %dma_wait3A = tpu.memref_slice %arg4[%mul3A_2] : memref<320000xi32, #tpu.memory_space<hbm>> -> memref<10000xi32, #tpu.memory_space<hbm>>
      %dma_wait3A_17 = tpu.memref_slice %arg4[%mul3A_2] : memref<320000xi32, #tpu.memory_space<hbm>> -> memref<10000xi32, #tpu.memory_space<hbm>>
      tpu.wait_dma2 semaphore(%run_scoped3A : memref<!tpu.dma_semaphore, #tpu.memory_space<semaphore_mem>>) src(%dma_wait3A_17 : memref<10000xi32, #tpu.memory_space<hbm>>) dst(%arg9 : memref<10000xi32, #tpu.memory_space<vmem>>)
      tpu.yield
    }) : () -> ()
    "tpu.region"() ({
      %run_scoped3A = tpu.sem_alloc : memref<!tpu.dma_semaphore, #tpu.memory_space<semaphore_mem>>
      %dma_start3A = tpu.memref_slice %arg3[%mul3A_2] : memref<320000xf32, #tpu.memory_space<hbm>> -> memref<10000xf32, #tpu.memory_space<hbm>>
      %dma_start3A_16 = tpu.memref_slice %arg3[%mul3A_2] : memref<320000xf32, #tpu.memory_space<hbm>> -> memref<10000xf32, #tpu.memory_space<hbm>>
      tpu.enqueue_dma source(%dma_start3A_16 : memref<10000xf32, #tpu.memory_space<hbm>>) target(%arg10 : memref<10000xf32, #tpu.memory_space<vmem>>) target_semaphore(%run_scoped3A : memref<!tpu.dma_semaphore, #tpu.memory_space<semaphore_mem>>)
      %dma_wait3A = tpu.memref_slice %arg3[%mul3A_2] : memref<320000xf32, #tpu.memory_space<hbm>> -> memref<10000xf32, #tpu.memory_space<hbm>>
      %dma_wait3A_17 = tpu.memref_slice %arg3[%mul3A_2] : memref<320000xf32, #tpu.memory_space<hbm>> -> memref<10000xf32, #tpu.memory_space<hbm>>
      tpu.wait_dma2 semaphore(%run_scoped3A : memref<!tpu.dma_semaphore, #tpu.memory_space<semaphore_mem>>) src(%dma_wait3A_17 : memref<10000xf32, #tpu.memory_space<hbm>>) dst(%arg10 : memref<10000xf32, #tpu.memory_space<vmem>>)
      tpu.yield
    }) : () -> ()
    %lt3A = arith.constant 10 : i32
    %lt3A_3 = arith.cmpi slt, %arg1, %lt3A : i32
    %convert_element_type3A = arith.extui %lt3A_3 : i1 to i32
    %cond3A = arith.constant 0 : i32
    %cond3A_4 = arith.cmpi ne, %convert_element_type3A, %cond3A : i32
    scf.if %cond3A_4 {
      %mul3A_16 = arith.constant 1000 : i32
      %mul3A_17 = arith.muli %arg1, %mul3A_16 : i32
      "tpu.region"() ({
        %run_scoped3A = tpu.sem_alloc : memref<!tpu.dma_semaphore, #tpu.memory_space<semaphore_mem>>
        %dma_start3A = tpu.memref_slice %arg6[%mul3A_17] : memref<10000xf32, #tpu.memory_space<hbm>> -> memref<1000xf32, #tpu.memory_space<hbm>>
        %dma_start3A_20 = tpu.memref_slice %arg6[%mul3A_17] : memref<10000xf32, #tpu.memory_space<hbm>> -> memref<1000xf32, #tpu.memory_space<hbm>>
        tpu.enqueue_dma source(%dma_start3A_20 : memref<1000xf32, #tpu.memory_space<hbm>>) target(%arg13 : memref<1000xf32, #tpu.memory_space<vmem>>) target_semaphore(%run_scoped3A : memref<!tpu.dma_semaphore, #tpu.memory_space<semaphore_mem>>)
        %dma_wait3A = tpu.memref_slice %arg6[%mul3A_17] : memref<10000xf32, #tpu.memory_space<hbm>> -> memref<1000xf32, #tpu.memory_space<hbm>>
        %dma_wait3A_21 = tpu.memref_slice %arg6[%mul3A_17] : memref<10000xf32, #tpu.memory_space<hbm>> -> memref<1000xf32, #tpu.memory_space<hbm>>
        tpu.wait_dma2 semaphore(%run_scoped3A : memref<!tpu.dma_semaphore, #tpu.memory_space<semaphore_mem>>) src(%dma_wait3A_21 : memref<1000xf32, #tpu.memory_space<hbm>>) dst(%arg13 : memref<1000xf32, #tpu.memory_space<vmem>>)
        tpu.yield
      }) : () -> ()
      %mul3A_18 = arith.constant 1000 : i32
      %mul3A_19 = arith.muli %arg1, %mul3A_18 : i32
      "tpu.region"() ({
        %run_scoped3A = tpu.sem_alloc : memref<!tpu.dma_semaphore, #tpu.memory_space<semaphore_mem>>
        %dma_start3A = tpu.memref_slice %arg14[%mul3A_19] : memref<10000xf32, #tpu.memory_space<vmem_shared>> -> memref<1000xf32, #tpu.memory_space<vmem_shared>>
        %dma_start3A_20 = tpu.memref_slice %arg14[%mul3A_19] : memref<10000xf32, #tpu.memory_space<vmem_shared>> -> memref<1000xf32, #tpu.memory_space<vmem_shared>>
        tpu.enqueue_dma source(%arg13 : memref<1000xf32, #tpu.memory_space<vmem>>) target(%dma_start3A_20 : memref<1000xf32, #tpu.memory_space<vmem_shared>>) target_semaphore(%run_scoped3A : memref<!tpu.dma_semaphore, #tpu.memory_space<semaphore_mem>>)
        %dma_wait3A = tpu.memref_slice %arg14[%mul3A_19] : memref<10000xf32, #tpu.memory_space<vmem_shared>> -> memref<1000xf32, #tpu.memory_space<vmem_shared>>
        %dma_wait3A_21 = tpu.memref_slice %arg14[%mul3A_19] : memref<10000xf32, #tpu.memory_space<vmem_shared>> -> memref<1000xf32, #tpu.memory_space<vmem_shared>>
        tpu.wait_dma2 semaphore(%run_scoped3A : memref<!tpu.dma_semaphore, #tpu.memory_space<semaphore_mem>>) src(%arg13 : memref<1000xf32, #tpu.memory_space<vmem>>) dst(%dma_wait3A_21 : memref<1000xf32, #tpu.memory_space<vmem_shared>>)
        tpu.yield
      }) : () -> ()
    } else {
    }
    %barrier3A = arith.constant 0 : index
    tpu.barrier barrier_id(%barrier3A)
    %scan3A = arith.constant 0 : i32
    %scan3A_5 = arith.constant 0 : i32
    %scan3A_6 = arith.constant 125 : i32
    %scan3A_7 = arith.addi %scan3A_5, %scan3A_6 : i32
    %scan3A_8 = arith.constant 1 : i32
    scf.for %scan3A_16 = %scan3A_5 to %scan3A_7 step %scan3A_8  : i32 {
      %mul3A_17 = arith.constant 80 : i32
      %mul3A_18 = arith.muli %scan3A_16, %mul3A_17 : i32
      %add3A_19 = arith.addi %mul3A_2, %mul3A_18 : i32
      "tpu.region"() ({
        %run_scoped3A = tpu.sem_alloc : memref<!tpu.dma_semaphore, #tpu.memory_space<semaphore_mem>>
        %dma_start3A = tpu.memref_slice %arg5[%add3A_19] : memref<320000xi32, #tpu.memory_space<hbm>> -> memref<80xi32, #tpu.memory_space<hbm>>
        %dma_start3A_26 = tpu.memref_slice %arg5[%add3A_19] : memref<320000xi32, #tpu.memory_space<hbm>> -> memref<80xi32, #tpu.memory_space<hbm>>
        tpu.enqueue_dma source(%dma_start3A_26 : memref<80xi32, #tpu.memory_space<hbm>>) target(%arg11 : memref<80xi32, #tpu.memory_space<vmem>>) target_semaphore(%run_scoped3A : memref<!tpu.dma_semaphore, #tpu.memory_space<semaphore_mem>>)
        %dma_wait3A = tpu.memref_slice %arg5[%add3A_19] : memref<320000xi32, #tpu.memory_space<hbm>> -> memref<80xi32, #tpu.memory_space<hbm>>
        %dma_wait3A_27 = tpu.memref_slice %arg5[%add3A_19] : memref<320000xi32, #tpu.memory_space<hbm>> -> memref<80xi32, #tpu.memory_space<hbm>>
        tpu.wait_dma2 semaphore(%run_scoped3A : memref<!tpu.dma_semaphore, #tpu.memory_space<semaphore_mem>>) src(%dma_wait3A_27 : memref<80xi32, #tpu.memory_space<hbm>>) dst(%arg11 : memref<80xi32, #tpu.memory_space<vmem>>)
        tpu.yield
      }) : () -> ()
      %scan3A_20 = arith.constant 0 : i32
      %scan3A_21 = arith.constant 0 : i32
      %scan3A_22 = arith.constant 5 : i32
      %scan3A_23 = arith.addi %scan3A_21, %scan3A_22 : i32
      %scan3A_24 = arith.constant 1 : i32
      scf.for %scan3A_26 = %scan3A_21 to %scan3A_23 step %scan3A_24  : i32 {
        %mul3A_27 = arith.constant 16 : i32
        %mul3A_28 = arith.muli %scan3A_26, %mul3A_27 : i32
        %mul3A_29 = arith.constant 80 : i32
        %mul3A_30 = arith.muli %scan3A_16, %mul3A_29 : i32
        %mul3A_31 = arith.constant 16 : i32
        %mul3A_32 = arith.muli %scan3A_26, %mul3A_31 : i32
        %add3A_33 = arith.addi %mul3A_30, %mul3A_32 : i32
        %get3A = arith.index_cast %add3A_33 : i32 to index
        %get3A_34 = tpu.vector_load %arg9[%get3A] {strides = array<i32>} : memref<10000xi32, #tpu.memory_space<vmem>>, vector<16xi32>,
        %gather3A = tpu.vector_load_idx %arg8[%get3A_34] : memref<10000xf32, #tpu.memory_space<vmem>>[vector<16xi32>], vector<16xf32>,
        %mul3A_35 = arith.constant 80 : i32
        %mul3A_36 = arith.muli %scan3A_16, %mul3A_35 : i32
        %mul3A_37 = arith.constant 16 : i32
        %mul3A_38 = arith.muli %scan3A_26, %mul3A_37 : i32
        %add3A_39 = arith.addi %mul3A_36, %mul3A_38 : i32
        %get3A_40 = arith.index_cast %add3A_39 : i32 to index
        %get3A_41 = tpu.vector_load %arg10[%get3A_40] {strides = array<i32>} : memref<10000xf32, #tpu.memory_space<vmem>>, vector<16xf32>,
        %mul3A_42 = arith.mulf %gather3A, %get3A_41 : vector<16xf32>
        %swap3A = arith.index_cast %mul3A_28 : i32 to index
        %swap3A_43 = tpu.vector_load %arg12[%swap3A] {strides = array<i32>} : memref<80xf32, #tpu.memory_space<vmem>>, vector<16xf32>,
        tpu.vector_store %arg12[%swap3A], %mul3A_42 {strides = array<i32>} : memref<80xf32, #tpu.memory_space<vmem>>, vector<16xf32>,
      }
      %scan3A_25 = arith.constant 5 : i32
      "tpu.region"() ({
        %run_scoped3A = tpu.sem_alloc : memref<!tpu.dma_semaphore, #tpu.memory_space<semaphore_mem>>
        %dma_start3A = arith.constant 0 : i32
        %dma_start3A_26 = tpu.memref_slice %arg14[%dma_start3A] : memref<10000xf32, #tpu.memory_space<vmem_shared>> -> memref<10000xf32, #tpu.memory_space<vmem_shared>>
        tpu.enqueue_indirect_dma source(%arg12 : memref<80xf32, #tpu.memory_space<vmem>>) target(%dma_start3A_26 : memref<10000xf32, #tpu.memory_space<vmem_shared>>) offsets(%arg11 : memref<80xi32, #tpu.memory_space<vmem>>) semaphore(%run_scoped3A : memref<!tpu.dma_semaphore, #tpu.memory_space<semaphore_mem>>) {add = true}
        %dma_wait3A = arith.constant 0 : i32
        %dma_wait3A_27 = tpu.memref_slice %arg14[%dma_wait3A] : memref<10000xf32, #tpu.memory_space<vmem_shared>> -> memref<10000xf32, #tpu.memory_space<vmem_shared>>
        tpu.wait_indirect_dma semaphore(%run_scoped3A : memref<!tpu.dma_semaphore, #tpu.memory_space<semaphore_mem>>) src(%arg12 : memref<80xf32, #tpu.memory_space<vmem>>) dst(%dma_wait3A_27 : memref<10000xf32, #tpu.memory_space<vmem_shared>>)
        tpu.yield
      }) : () -> ()
    }
    %scan3A_9 = arith.constant 125 : i32
    %barrier3A_10 = arith.constant 0 : index
    tpu.barrier barrier_id(%barrier3A_10)
    %lt3A_11 = arith.constant 10 : i32
    %lt3A_12 = arith.cmpi slt, %arg1, %lt3A_11 : i32
    %convert_element_type3A_13 = arith.extui %lt3A_12 : i1 to i32
    %cond3A_14 = arith.constant 0 : i32
    %cond3A_15 = arith.cmpi ne, %convert_element_type3A_13, %cond3A_14 : i32
    scf.if %cond3A_15 {
      %mul3A_16 = arith.constant 1000 : i32
      %mul3A_17 = arith.muli %arg1, %mul3A_16 : i32
      "tpu.region"() ({
        %run_scoped3A = tpu.sem_alloc : memref<!tpu.dma_semaphore, #tpu.memory_space<semaphore_mem>>
        %dma_start3A = tpu.memref_slice %arg14[%mul3A_17] : memref<10000xf32, #tpu.memory_space<vmem_shared>> -> memref<1000xf32, #tpu.memory_space<vmem_shared>>
        %dma_start3A_23 = tpu.memref_slice %arg14[%mul3A_17] : memref<10000xf32, #tpu.memory_space<vmem_shared>> -> memref<1000xf32, #tpu.memory_space<vmem_shared>>
        tpu.enqueue_dma source(%dma_start3A_23 : memref<1000xf32, #tpu.memory_space<vmem_shared>>) target(%arg13 : memref<1000xf32, #tpu.memory_space<vmem>>) target_semaphore(%run_scoped3A : memref<!tpu.dma_semaphore, #tpu.memory_space<semaphore_mem>>)
        %dma_wait3A = tpu.memref_slice %arg14[%mul3A_17] : memref<10000xf32, #tpu.memory_space<vmem_shared>> -> memref<1000xf32, #tpu.memory_space<vmem_shared>>
        %dma_wait3A_24 = tpu.memref_slice %arg14[%mul3A_17] : memref<10000xf32, #tpu.memory_space<vmem_shared>> -> memref<1000xf32, #tpu.memory_space<vmem_shared>>
        tpu.wait_dma2 semaphore(%run_scoped3A : memref<!tpu.dma_semaphore, #tpu.memory_space<semaphore_mem>>) src(%dma_wait3A_24 : memref<1000xf32, #tpu.memory_space<vmem_shared>>) dst(%arg13 : memref<1000xf32, #tpu.memory_space<vmem>>)
        tpu.yield
      }) : () -> ()
      %mul3A_18 = arith.constant 10000 : i32
      %mul3A_19 = arith.muli %arg0, %mul3A_18 : i32
      %mul3A_20 = arith.constant 1000 : i32
      %mul3A_21 = arith.muli %arg1, %mul3A_20 : i32
      %add3A_22 = arith.addi %mul3A_19, %mul3A_21 : i32
      "tpu.region"() ({
        %run_scoped3A = tpu.sem_alloc : memref<!tpu.dma_semaphore, #tpu.memory_space<semaphore_mem>>
        %dma_start3A = tpu.memref_slice %arg7[%add3A_22] : memref<20000xf32, #tpu.memory_space<hbm>> -> memref<1000xf32, #tpu.memory_space<hbm>>
        %dma_start3A_23 = tpu.memref_slice %arg7[%add3A_22] : memref<20000xf32, #tpu.memory_space<hbm>> -> memref<1000xf32, #tpu.memory_space<hbm>>
        tpu.enqueue_dma source(%arg13 : memref<1000xf32, #tpu.memory_space<vmem>>) target(%dma_start3A_23 : memref<1000xf32, #tpu.memory_space<hbm>>) target_semaphore(%run_scoped3A : memref<!tpu.dma_semaphore, #tpu.memory_space<semaphore_mem>>)
        %dma_wait3A = tpu.memref_slice %arg7[%add3A_22] : memref<20000xf32, #tpu.memory_space<hbm>> -> memref<1000xf32, #tpu.memory_space<hbm>>
        %dma_wait3A_24 = tpu.memref_slice %arg7[%add3A_22] : memref<20000xf32, #tpu.memory_space<hbm>> -> memref<1000xf32, #tpu.memory_space<hbm>>
        tpu.wait_dma2 semaphore(%run_scoped3A : memref<!tpu.dma_semaphore, #tpu.memory_space<semaphore_mem>>) src(%arg13 : memref<1000xf32, #tpu.memory_space<vmem>>) dst(%dma_wait3A_24 : memref<1000xf32, #tpu.memory_space<hbm>>)
        tpu.yield
      }) : () -> ()
    } else {
    }
    return
  }
}

module attributes {stable_mosaic.version = 14 : i64} {
  func.func @_lin_body(%arg0: memref<10000x128xf32, #tpu.memory_space<vmem>>, %arg1: memref<128x128xf32, #tpu.memory_space<vmem>>, %arg2: memref<1x128xf32, #tpu.memory_space<vmem>>, %arg3: memref<10000x128xf32, #tpu.memory_space<vmem>>) attributes {dimension_semantics = [], scalar_prefetch = 0 : i64, scratch_operands = 0 : i64, tpu.core_type = #tpu.core_type<tc>} {
    %get3A = arith.constant 0 : index
    %get3A_0 = arith.constant 0 : index
    %get3A_1 = vector.load %arg0[%get3A, %get3A_0] : memref<10000x128xf32, #tpu.memory_space<vmem>>, vector<10000x128xf32>
    %get3A_2 = arith.constant 0 : index
    %get3A_3 = arith.constant 0 : index
    %get3A_4 = vector.load %arg1[%get3A_2, %get3A_3] : memref<128x128xf32, #tpu.memory_space<vmem>>, vector<128x128xf32>
    %dot_general3A = arith.constant dense<0.000000e+00> : vector<10000x128xf32>
    %dot_general3A_5 = tpu.matmul %get3A_1, %get3A_4, %dot_general3A {dimension_numbers = #tpu.dot_dimension_numbers<[1], [0], [0], [1], [0, 0, 1, 1], [], []>, transpose_lhs_hint = false} : vector<10000x128xf32>, vector<128x128xf32>, vector<10000x128xf32> -> vector<10000x128xf32>
    %get3A_6 = arith.constant 0 : index
    %get3A_7 = arith.constant 0 : index
    %get3A_8 = vector.load %arg2[%get3A_6, %get3A_7] : memref<1x128xf32, #tpu.memory_space<vmem>>, vector<1x128xf32>
    %add3A = vector.broadcast %get3A_8 : vector<1x128xf32> to vector<10000x128xf32>
    %add3A_9 = arith.addf %dot_general3A_5, %add3A : vector<10000x128xf32>
    %swap3A = arith.constant 0 : index
    %swap3A_10 = arith.constant 0 : index
    %swap3A_11 = vector.load %arg3[%swap3A, %swap3A_10] : memref<10000x128xf32, #tpu.memory_space<vmem>>, vector<10000x128xf32>
    tpu.vector_store %arg3[%swap3A, %swap3A_10], %add3A_9 {strides = array<i32>} : memref<10000x128xf32, #tpu.memory_space<vmem>>, vector<10000x128xf32>,
    return
  }
}

module attributes {stable_mosaic.version = 14 : i64} {
  func.func @_mid_body(%arg0: memref<2x10000x128xf32, #tpu.memory_space<vmem>>, %arg1: memref<128x128xf32, #tpu.memory_space<vmem>>, %arg2: memref<1x128xf32, #tpu.memory_space<vmem>>, %arg3: memref<10000x128xf32, #tpu.memory_space<vmem>>) attributes {dimension_semantics = [], scalar_prefetch = 0 : i64, scratch_operands = 0 : i64, tpu.core_type = #tpu.core_type<tc>} {
    %get3A = arith.constant 0 : index
    %get3A_0 = arith.constant 0 : index
    %get3A_1 = arith.constant 0 : index
    %get3A_2 = vector.load %arg0[%get3A, %get3A_0, %get3A_1] : memref<2x10000x128xf32, #tpu.memory_space<vmem>>, vector<1x10000x128xf32>
    %get3A_3 = vector.shape_cast %get3A_2 : vector<1x10000x128xf32> to vector<10000x128xf32>
    %get3A_4 = arith.constant 1 : index
    %get3A_5 = arith.constant 0 : index
    %get3A_6 = arith.constant 0 : index
    %get3A_7 = vector.load %arg0[%get3A_4, %get3A_5, %get3A_6] : memref<2x10000x128xf32, #tpu.memory_space<vmem>>, vector<1x10000x128xf32>
    %get3A_8 = vector.shape_cast %get3A_7 : vector<1x10000x128xf32> to vector<10000x128xf32>
    %add3A = arith.addf %get3A_3, %get3A_8 : vector<10000x128xf32>
    %max3A = arith.constant 0.000000e+00 : f32
    %max3A_9 = vector.broadcast %max3A : f32 to vector<10000x128xf32>
    %max3A_10 = arith.maximumf %add3A, %max3A_9 : vector<10000x128xf32>
    %get3A_11 = arith.constant 0 : index
    %get3A_12 = arith.constant 0 : index
    %get3A_13 = vector.load %arg1[%get3A_11, %get3A_12] : memref<128x128xf32, #tpu.memory_space<vmem>>, vector<128x128xf32>
    %dot_general3A = arith.constant dense<0.000000e+00> : vector<10000x128xf32>
    %dot_general3A_14 = tpu.matmul %max3A_10, %get3A_13, %dot_general3A {dimension_numbers = #tpu.dot_dimension_numbers<[1], [0], [0], [1], [0, 0, 1, 1], [], []>, transpose_lhs_hint = false} : vector<10000x128xf32>, vector<128x128xf32>, vector<10000x128xf32> -> vector<10000x128xf32>
    %get3A_15 = arith.constant 0 : index
    %get3A_16 = arith.constant 0 : index
    %get3A_17 = vector.load %arg2[%get3A_15, %get3A_16] : memref<1x128xf32, #tpu.memory_space<vmem>>, vector<1x128xf32>
    %add3A_18 = vector.broadcast %get3A_17 : vector<1x128xf32> to vector<10000x128xf32>
    %add3A_19 = arith.addf %dot_general3A_14, %add3A_18 : vector<10000x128xf32>
    %swap3A = arith.constant 0 : index
    %swap3A_20 = arith.constant 0 : index
    %swap3A_21 = vector.load %arg3[%swap3A, %swap3A_20] : memref<10000x128xf32, #tpu.memory_space<vmem>>, vector<10000x128xf32>
    tpu.vector_store %arg3[%swap3A, %swap3A_20], %add3A_19 {strides = array<i32>} : memref<10000x128xf32, #tpu.memory_space<vmem>>, vector<10000x128xf32>,
    return
  }
}

module attributes {stable_mosaic.version = 14 : i64} {
  func.func @_mid_body(%arg0: memref<2x10000x128xf32, #tpu.memory_space<vmem>>, %arg1: memref<128x1xf32, #tpu.memory_space<vmem>>, %arg2: memref<1x1xf32, #tpu.memory_space<vmem>>, %arg3: memref<10000x1xf32, #tpu.memory_space<vmem>>) attributes {dimension_semantics = [], scalar_prefetch = 0 : i64, scratch_operands = 0 : i64, tpu.core_type = #tpu.core_type<tc>} {
    %get3A = arith.constant 0 : index
    %get3A_0 = arith.constant 0 : index
    %get3A_1 = arith.constant 0 : index
    %get3A_2 = vector.load %arg0[%get3A, %get3A_0, %get3A_1] : memref<2x10000x128xf32, #tpu.memory_space<vmem>>, vector<1x10000x128xf32>
    %get3A_3 = vector.shape_cast %get3A_2 : vector<1x10000x128xf32> to vector<10000x128xf32>
    %get3A_4 = arith.constant 1 : index
    %get3A_5 = arith.constant 0 : index
    %get3A_6 = arith.constant 0 : index
    %get3A_7 = vector.load %arg0[%get3A_4, %get3A_5, %get3A_6] : memref<2x10000x128xf32, #tpu.memory_space<vmem>>, vector<1x10000x128xf32>
    %get3A_8 = vector.shape_cast %get3A_7 : vector<1x10000x128xf32> to vector<10000x128xf32>
    %add3A = arith.addf %get3A_3, %get3A_8 : vector<10000x128xf32>
    %max3A = arith.constant 0.000000e+00 : f32
    %max3A_9 = vector.broadcast %max3A : f32 to vector<10000x128xf32>
    %max3A_10 = arith.maximumf %add3A, %max3A_9 : vector<10000x128xf32>
    %get3A_11 = arith.constant 0 : index
    %get3A_12 = arith.constant 0 : index
    %get3A_13 = vector.load %arg1[%get3A_11, %get3A_12] : memref<128x1xf32, #tpu.memory_space<vmem>>, vector<128x1xf32>
    %dot_general3A = arith.constant dense<0.000000e+00> : vector<10000x1xf32>
    %dot_general3A_14 = tpu.matmul %max3A_10, %get3A_13, %dot_general3A {dimension_numbers = #tpu.dot_dimension_numbers<[1], [0], [0], [1], [0, 0, 1, 1], [], []>, transpose_lhs_hint = false} : vector<10000x128xf32>, vector<128x1xf32>, vector<10000x1xf32> -> vector<10000x1xf32>
    %get3A_15 = arith.constant 0 : index
    %get3A_16 = arith.constant 0 : index
    %get3A_17 = vector.load %arg2[%get3A_15, %get3A_16] : memref<1x1xf32, #tpu.memory_space<vmem>>, vector<1x1xf32>
    %add3A_18 = vector.broadcast %get3A_17 : vector<1x1xf32> to vector<10000x1xf32>
    %add3A_19 = arith.addf %dot_general3A_14, %add3A_18 : vector<10000x1xf32>
    %swap3A = arith.constant 0 : index
    %swap3A_20 = arith.constant 0 : index
    %swap3A_21 = vector.load %arg3[%swap3A, %swap3A_20] : memref<10000x1xf32, #tpu.memory_space<vmem>>, vector<10000x1xf32>
    tpu.vector_store %arg3[%swap3A, %swap3A_20], %add3A_19 {strides = array<i32>} : memref<10000x1xf32, #tpu.memory_space<vmem>>, vector<10000x1xf32>,
    return
  }
}

module attributes {stable_mosaic.version = 14 : i64} {
  func.func @_pool_body(%arg0: memref<1x10000xi32, #tpu.memory_space<vmem>>, %arg1: memref<2x10000x1xf32, #tpu.memory_space<vmem>>, %arg2: memref<64x1xf32, #tpu.memory_space<vmem>>) attributes {dimension_semantics = [], scalar_prefetch = 0 : i64, scratch_operands = 0 : i64, tpu.core_type = #tpu.core_type<tc>} {
    %get3A = arith.constant 0 : index
    %get3A_0 = arith.constant 0 : index
    %get3A_1 = arith.constant 0 : index
    %get3A_2 = vector.load %arg1[%get3A, %get3A_0, %get3A_1] : memref<2x10000x1xf32, #tpu.memory_space<vmem>>, vector<1x10000x1xf32>
    %get3A_3 = vector.shape_cast %get3A_2 : vector<1x10000x1xf32> to vector<10000x1xf32>
    %get3A_4 = arith.constant 1 : index
    %get3A_5 = arith.constant 0 : index
    %get3A_6 = arith.constant 0 : index
    %get3A_7 = vector.load %arg1[%get3A_4, %get3A_5, %get3A_6] : memref<2x10000x1xf32, #tpu.memory_space<vmem>>, vector<1x10000x1xf32>
    %get3A_8 = vector.shape_cast %get3A_7 : vector<1x10000x1xf32> to vector<10000x1xf32>
    %add3A = arith.addf %get3A_3, %get3A_8 : vector<10000x1xf32>
    %iota3A = tpu.iota {dimensions = array<i32: 0>} : vector<64x10000xi32>
    %get3A_9 = arith.constant 0 : index
    %get3A_10 = arith.constant 0 : index
    %get3A_11 = vector.load %arg0[%get3A_9, %get3A_10] : memref<1x10000xi32, #tpu.memory_space<vmem>>, vector<1x10000xi32>
    %eq3A = vector.broadcast %get3A_11 : vector<1x10000xi32> to vector<64x10000xi32>
    %eq3A_12 = arith.cmpi eq, %iota3A, %eq3A : vector<64x10000xi32>
    %convert_element_type3A = arith.extui %eq3A_12 : vector<64x10000xi1> to vector<64x10000xi32>
    %convert_element_type3A_13 = arith.sitofp %convert_element_type3A : vector<64x10000xi32> to vector<64x10000xf32>
    %dot_general3A = arith.constant dense<0.000000e+00> : vector<64x1xf32>
    %dot_general3A_14 = tpu.matmul %convert_element_type3A_13, %add3A, %dot_general3A {dimension_numbers = #tpu.dot_dimension_numbers<[1], [0], [0], [1], [0, 0, 1, 1], [], []>, transpose_lhs_hint = false} : vector<64x10000xf32>, vector<10000x1xf32>, vector<64x1xf32> -> vector<64x1xf32>
    %swap3A = arith.constant 0 : index
    %swap3A_15 = arith.constant 0 : index
    %swap3A_16 = vector.load %arg2[%swap3A, %swap3A_15] : memref<64x1xf32, #tpu.memory_space<vmem>>, vector<64x1xf32>
    tpu.vector_store %arg2[%swap3A, %swap3A_15], %dot_general3A_14 {strides = array<i32>} : memref<64x1xf32, #tpu.memory_space<vmem>>, vector<64x1xf32>,
    return
  }
}

</mosaic_0001>

<sc_bundles>
// kernel: kernel.12.cloned.1.call-start
scs
__scs_entry_jumppad:
0x0: {  	(pc) =	sbr.rel $0x88, $3  }
0x1: {  	(tag) =	ssettag $0x0;
	lr =	simm.s32 $0x1  }
0x2: {  	[smem:$0x3F8A] =	sst lr;
	_ =	strace $0xD0000000  }
0x3: {  	_ = 	snop  }
0x4: {  	_ = 	snop  }
0x5: {  	_ = 	snop  }
0x6: {  	_ = 	snop  }
0x7: {  	_ = 	snop  }
__scs_overlays_trampoline_lowered:
0x8: {  	[smem:$0x3F99] =	sst s0  }
0x9: {  	[smem:$0x3F9A] =	sst s1  }
0xa: {  	[smem:$0x3F9B] =	sst s2  }
0xb: {  	[smem:$0x3F9C] =	sst s3  }
0xc: {  	[smem:$0x3F9D] =	sst s4  }
0xd: {  	[smem:$0x3F9E] =	sst s5  }
0xe: {  	[smem:$0x3F9F] =	sst s6  }
0xf: {  	[smem:$0x3FA0] =	sst s7  }
0x10: {  	[smem:$0x3FA1] =	sst s8  }
0x11: {  	[smem:$0x3FA2] =	sst s9;
	s0 =	simm.s32 @!p0 $0x0  }
0x12: {  	s1 =	sld [smem:$0x3F88];
	s0 =	simm.s32 @p0 $0x1  }
0x13: {  	[smem:$0x3FA3] =	sst s0;
	s0 =	simm.s32 @!p1 $0x0  }
0x14: {  	s2 =	sld [smem:$0x3F87];
	s0 =	simm.s32 @p1 $0x1  }
0x15: {  	[smem:$0x3FA4] =	sst s0;
	s0 =	simm.s32 @!p2 $0x0  }
0x16: {  	s3 =	sld [smem:$0x3FDB];
	s0 =	simm.s32 @p2 $0x1  }
0x17: {  	s4 =	simm.s32 $0x1BF5;
	[smem:$0x3FA6] =	sst s0  }
0x18: {  	s0 =	sld [smem:$0x3F89];
	_ =	swait.ge [sflag:s4], $0x0  }
0x19: {  	s7 =	sld [smem:$0x3F8A]  }
0x1a: {  	s8 =	sadd.s32 $0xFFFFE003, lr  }
0x1b: {  	s9 =	sadd.s32 $0xFFFFFEF7, lr;
	s5 =	simm.s32 $0xFFFFFFFF;
	p2 =	slt.u32 s8, $0xFFFFF086  }
0x1c: {  	p1 =	slt.u32 s9, $0xF7A;
	s5 =	simm.s32 @!p2 $0x0  }
0x1d: {  	s5 =	simm.s32 @p1 $0x1;
	p0 =	seq.s32 s7, s2  }
0x1e: {  	s7 =	smul.u32 @!p0 $0xF7A, s2;
	p2 =	seq.s32 @!p0 s5, $0x0  }
0x1f: {  	s9 =	smul.u32 $0xF7A, s1;
	s8 =	simm.s32 @!p0 $0x1BF5;
	p2 =	por !p2, p0  }
0x20: {  	[sflag:s8] =	ssyncset.s32 @!p0 $0xFFFFF086;
	s6 =	sadd.s32 @!p0 s3, s7;
	s7 =	simm.s32 @!p0 $0x108  }
0x21: {  	s3 =	sadd.s32 s3, s9;
	s6 =	sadd.s32 @!p0 $0x88, s6;
	s7 =	simm.s32 @p2 $0x1082  }
0x22: {  	[simem:s7], [sflag:s8] =	dma.local @!p0 [hbm:s6], $0xF7A  }
0x23: {  	s9 =	sor.u32 $0xD0000000, s2;
	s6 =	simm.s32 $0x108;
	_ =	swait.ge @!p0 [sflag:s8], $0x0  }
0x24: {  	s3 =	sadd.s32 $0x88, s3;
	s6 =	simm.s32 @!p1 $0x1082;
	[sflag:s4] =	ssyncset.s32 $0xFFFFF086  }
0x25: {  	[simem:s6], [sflag:s4] =	dma.local [hbm:s3], $0xF7A  }
0x26: {  	[smem:$0x3F8A] =	sst s1;
	(tag) =	ssettag s2;
	_ =	strace s9  }
0x27: {  	s1 =	sld [smem:$0x3F9A]  }
0x28: {  	s2 =	sld [smem:$0x3F9B]  }
0x29: {  	s4 =	sld [smem:$0x3F9D]  }
0x2a: {  	p0 =	seq.s32 s5, $0x0;
	s5 =	sld [smem:$0x3F9E]  }
0x2b: {  	s6 =	sld [smem:$0x3F9F]  }
0x2c: {  	s7 =	sld [smem:$0x3FA0]  }
0x2d: {  	s3 =	simm.s32 $0x108;
	s8 =	sld [smem:$0x3FA1]  }
0x2e: {  	s3 =	simm.s32 @!p0 $0x1082;
	s9 =	sld [smem:$0x3FA2]  }
0x2f: {  	lr =	sadd.s32 s0, s3;
	s0 =	sld [smem:$0x3F99]  }
0x30: {  	s3 =	sld [smem:$0x3F9C]  }
0x31: {  	[smem:$0x3FA5] =	sst s10  }
0x32: {  	s10 =	sld [smem:$0x3FA3];
	_ =	sdelay $0x3  }
0x33: {  	p0 =	seq.s32 s10, $0x1;
	s10 =	sld [smem:$0x3FA5];
	_ =	sdelay $0x3  }
0x34: {  	[smem:$0x3FA5] =	sst s10  }
0x35: {  	s10 =	sld [smem:$0x3FA4];
	_ =	sdelay $0x3  }
0x36: {  	p1 =	seq.s32 s10, $0x1;
	s10 =	sld [smem:$0x3FA5];
	_ =	sdelay $0x3  }
0x37: {  	[smem:$0x3FA5] =	sst s10  }
0x38: {  	s10 =	sld [smem:$0x3FA6]  }
0x39: {  	_ = 	snop;
	(pc) =	sbr.ind lr, $3  }
0x3a: {  	_ = 	snop  }
0x3b: {  	_ = 	snop  }
0x3c: {  	p2 =	seq.s32 s10, $0x1;
	s10 =	sld [smem:$0x3FA5]  }
0x3d: {  	_ =	shalt  }
0x3e: {  	_ =	shalt  }
0x3f: {  	_ =	shalt  }
0x40: {  	_ =	shalt  }
0x41: {  	_ =	shalt  }
0x42: {  	_ =	shalt  }
0x43: {  	_ =	shalt  }
0x44: {  	_ =	shalt  }
0x45: {  	_ =	shalt  }
0x46: {  	_ =	shalt  }
0x47: {  	_ =	shalt  }
0x48: {  	_ =	shalt  }
0x49: {  	_ =	shalt  }
0x4a: {  	_ =	shalt  }
0x4b: {  	_ =	shalt  }
0x4c: {  	_ =	shalt  }
0x4d: {  	_ =	shalt  }
0x4e: {  	_ =	shalt  }
0x4f: {  	_ =	shalt  }
0x50: {  	_ =	shalt  }
0x51: {  	_ =	shalt  }
0x52: {  	_ =	shalt  }
0x53: {  	_ =	shalt  }
0x54: {  	_ =	shalt  }
0x55: {  	_ =	shalt  }
0x56: {  	_ =	shalt  }
0x57: {  	_ =	shalt  }
0x58: {  	_ =	shalt  }
0x59: {  	_ =	shalt  }
0x5a: {  	_ =	shalt  }
0x5b: {  	_ =	shalt  }
0x5c: {  	_ =	shalt  }
0x5d: {  	_ =	shalt  }
0x5e: {  	_ =	shalt  }
0x5f: {  	_ =	shalt  }
0x60: {  	_ =	shalt  }
0x61: {  	_ =	shalt  }
0x62: {  	_ =	shalt  }
0x63: {  	_ =	shalt  }
0x64: {  	_ =	shalt  }
0x65: {  	_ =	shalt  }
0x66: {  	_ =	shalt  }
0x67: {  	_ =	shalt  }
0x68: {  	_ =	shalt  }
0x69: {  	_ =	shalt  }
0x6a: {  	_ =	shalt  }
0x6b: {  	_ =	shalt  }
0x6c: {  	_ =	shalt  }
0x6d: {  	_ =	shalt  }
0x6e: {  	_ =	shalt  }
0x6f: {  	_ =	shalt  }
0x70: {  	_ =	shalt  }
0x71: {  	_ =	shalt  }
0x72: {  	_ =	shalt  }
0x73: {  	_ =	shalt  }
0x74: {  	_ =	shalt  }
0x75: {  	_ =	shalt  }
0x76: {  	_ =	shalt  }
0x77: {  	_ =	shalt  }
0x78: {  	_ =	shalt  }
0x79: {  	_ =	shalt  }
0x7a: {  	_ =	shalt  }
0x7b: {  	_ =	shalt  }
0x7c: {  	_ =	shalt  }
0x7d: {  	_ =	shalt  }
0x7e: {  	_ =	shalt  }
0x7f: {  	_ =	shalt  }
0x80: {  	_ =	shalt  }
0x81: {  	_ =	shalt  }
0x82: {  	_ =	shalt  }
0x83: {  	_ =	shalt  }
0x84: {  	_ =	shalt  }
0x85: {  	_ =	shalt  }
0x86: {  	_ =	shalt  }
0x87: {  	_ =	shalt  }
.Lfunc_end0:
.L_simem_size_0:
called_computation.1_lowered:
.L_overlay_start_0:
0x88: {  	s2 =	sld [smem:$0x3FD9]  }
0x89: {  	s3 =	sld [smem:$0x3FFE];
	_ =	sdelay $0x1  }
0x8a: {  	s1 =	srdreg.scid  }
0x8b: {  	s0 =	sand.u32 $0x1, s1  }
0x8c: {  	s17 =	sshll.u32 s0, $0xA;
	s2 =	sadd.s32 s3, s2  }
0x8d: {  	s2 =	sadd.s32 s2, s17  }
0x8e: {  	[smem:$0x3FB1] =	sst s2  }
0x8f: {  	_ = 	snop  }
0x90: {  	s2 =	sld [smem:$0x3FC7]  }
0x91: {  	s18 =	sld [smem:$0x3FC6];
	(tm) =	ssettm $0x1  }
0x92: {  	s4 =	sld [smem:$0x3FFB];
	_ =	sdelay $0x3  }
0x93: {  	_ =	strace s4  }
0x94: {  	s4 =	sld [smem:$0x3FFC];
	_ =	sdelay $0x3  }
0x95: {  	_ =	strace s4  }
0x96: {  	s4 =	sld [smem:$0x3FFD];
	_ =	sdelay $0x3  }
0x97: {  	_ =	strace s4  }
0x98: {  	_ =	strace $0x8FFFFFFF  }
0x99: {  	s19 =	sld [smem:$0x3FDB];
	_ =	sdelay $0x1  }
0x9a: {  	s5 =	simm.s32 $_scs_section_size  }
0x9b: {  	s6 =	simm.s32 $_size__tile_overlayer_lowered;
	s7 =	simm.s32 $_tile_overlayer_lowered  }
0x9c: {  	s22 =	simm.s32 $0x1BFF;
	s21 =	sshll.u32 s7, $0x1;
	s4 =	sadd.s32 s5, s19  }
0x9d: {  	s8 =	simm.s32 $0x0;
	s20 =	sshll.u32 s6, $0x1;
	s6 =	sadd.s32 s21, s4  }
0x9e: {  	[timem:s8], [sflag:s22] =	dma.local [hbm:s6], s20  }
0x9f: {  	_ =	swait.ge [sflag:s22], s20  }
0xa0: {  	s5 =	ssub.s32 $0x0, s20;
	[sflag:s22] =	ssyncset.done $0x0  }
0xa1: {  	[sflag:s22] =	ssyncadd.s32 s5;
	_ =	sdelay $0x1  }
0xa2: {  	s23 =	simm.s32 $0x1B8B  }
0xa3: {  	_ =	swait.ge [sflag:s23], $0x1  }
0xa4: {  	[sflag:s23] =	ssyncset.done $0x0  }
0xa5: {  	s25 =	simm.s32 $0x1B8E;
	s24 =	sld [smem:$0x3FFE];
	[sflag:s23] =	ssyncadd.s32 $0xFFFFFFFF  }
0xa6: {  	s26 =	simm.s32 $execute0_lowered;
	[smem:$0x3FD2] =	sst s25  }
0xa7: {  	s6 =	sshll.u32 s26, $0x1;
	_ =	strace $0x80000049;
	[dreg:$0x1] =	wrdreg $0xFFFFFFFF  }
0xa8: {  	s28 =	simm.s32 $_size_execute0_lowered;
	s4 =	sadd.s32 s4, s6;
	[dreg:$0x0] =	wrdreg $0x0  }
0xa9: {  	s6 =	sshll.u32 s28, $0x1;
	[dreg:$0x2] =	wrdreg s4  }
0xaa: {  	[dreg:$0x3] =	wrdreg s6  }
0xab: {  	[dreg:$0x4] =	wrdreg $0xC0  }
0xac: {  	_ =	task [dreg:s8], $0x5FFFF  }
0xad: {  	[dreg:$0x1] =	wrdreg $0xFFFFFFFF  }
0xae: {  	[dreg:$0x0] =	wrdreg $0x60  }
0xaf: {  	[dreg:$0x2] =	wrdreg s24  }
0xb0: {  	[dreg:$0x3] =	wrdreg s2  }
0xb1: {  	[dreg:$0x4] =	wrdreg s18  }
0xb2: {  	[dreg:$0x5] =	wrdreg $0xA8800  }
0xb3: {  	[dreg:$0x6] =	wrdreg $0x9  }
0xb4: {  	_ =	task.clear_ibuf [dreg:s8], $0x7FFFF;
	_ =	strace $0x90000049  }
0xb5: {  	s29 =	simm.s32 $0x9;
	_ =	strace $0x8000004B  }
0xb6: {  	_ =	swait.ge [sflag:s29], $0x1  }
0xb7: {  	[sflag:s29] =	ssyncadd.s32 $0xFFFFFFFF  }
0xb8: {  	_ =	strace $0x9000004B  }
0xb9: {  	_ =	sfence  }
0xba: {  	s30 =	sld [smem:$0x0];
	_ =	sdelay $0x2  }
0xbb: {  	s31 =	sshll.u32 s1, $0xD;
	s1 =	sshrl.u32 s1, $0x2  }
0xbc: {  	s3 =	sand.u32 $0x4000, s31;
	s1 =	sadd.s32 s1, s30  }
0xbd: {  	s0 =	sor.u32 s3, s0;
	s1 =	sshll.u32 s1, $0x11  }
0xbe: {  	s0 =	sor.u32 s1, s0  }
0xbf: {  	s0 =	sadd.s32 $0x8F2B, s0  }
0xc0: {  	[sflag:s0] =	ssyncadd.remote.s32 $0x1  }
0xc1: {  	_ =	sfence.sel $0xFFFF  }
0xc2: {  	[dreg:$0x0] =	wrdreg $0xFFFFFFFF;
	(pc) =	sbr.abs _section_cstart, $3  }
0xc3: {  	[dreg:$0x1] =	wrdreg $0xFFFFFFFF  }
0xc4: {  	_ =	task.clear_ibuf [dreg:s8], $0x2FFFF;
	_ =	strace $0x9FFFFFFF  }
0xc5: {  	(tm) =	ssettm $0x7FFFFFFF  }
tec
execute0_lowered:
.L_overlay_start_1:
0x0: {  	(tag) =	ssettag $0x1  }
0x1: {  	s8 =	rddreg [dreg:$0x0]  }
0x2: {  	s9 =	rddreg [dreg:$0x1]  }
0x3: {  	s1 =	rddreg [dreg:$0x2]  }
0x4: {  	s2 =	rddreg [dreg:$0x3]  }
0x5: {  	s0 =	rddreg [dreg:$0x4]  }
0x6: {  	s4 =	simm.s32 $0x0;
	s3 =	srdreg.scid;
	s17 =	simm.s32 $0x80  }
0x7: {  	s18 =	simm.s32 $0x2880;
	s19 =	simm.s32 $0x6880;
	s20 =	simm.s32 $0x2780  }
0x8: {  	s21 =	simm.s32 $0x1;
	s22 =	simm.s32 $0x10;
	s10 =	sand.u32 $0x1, s3  }
0x9: {  	s23 =	simm.s32 $0x2700;
	s3 =	stileid.u32;
	s7 =	smul.u32 $0x138800, s10  }
0xa: {  	[smem:$0x7FF] =	sst s4;
	s5 =	sadd.s32 $0x532A00, s8;
	s11 =	smul.u32 $0x1F400, s3  }
0xb: {  	_ =	strace $0x8000004A;
	s6 =	sshll.u32 s10, $0x4;
	s12 =	smul.u32 $0x3E80, s3  }
0xc: {  	s10 =	ssub.s32 $0x2, s10;
	s24 =	smul.u32 $0x7D000, s3;
	p0 =	sgt.u32 s3, $0x9  }
0xd: {  	s13 =	sor.u32 s3, s6;
	s6 =	sadd.s32 $0x581400, s8;
	s25 =	sshrl.u32 s10, $0x1  }
0xe: {  	s11 =	sadd.s32 s11, s7;
	s7 =	smul.u32 $0x2710, s13;
	s12 =	sadd.s32 s12, s8  }
0xf: {  	s15 =	ssub.s32 s10, s25;
	s28 =	sshrl.u32 s24, $0x2;
	s24 =	simm.s32 $0x2800  }
0x10: {  	s25 =	simm.s32 $0x0;
	s11 =	sshrl.u32 s11, $0x3;
	s16 =	sadd.s32 s28, s2  }
0x11: {  	s13 =	smax.u32 s15, $0x1;
	s15 =	sshll.u32 @!p0 s3, $0x6;
	s14 =	sadd.s32 s11, s8  }
0x12: {  	s26 =	sshrl.u32 s7, $0x3;
	s29 =	sadd.s32 $0x2700, s7;
	s15 =	sor.u32 @!p0 $0x1C02, s15  }
0x13: {  	s16 =	sshrl.u32 @!p0 s16, $0x3;
	s8 =	sadd.s32 s9, s26;
	s9 =	sadd.s32 $0x50B800, s12  }
0x14: {  	s30 =	sshll.u32 s29, $0x4;
	s31 =	sshrl.u32 s29, $0x3;
	s12 =	sadd.s32 $0x2600, s14  }
0x15: {  	s14 =	simm.s32 $0x2;
	s10 =	sadd.s32 s6, s30;
	s11 =	sadd.s32 s1, s31  }
.LBB2_1:
0x16: {  	[tilespmem:s4], [sflag:$0x2] =	stream.linear.gather [hbm4b:s8+s4], $0x2710, $0x38;
	[tilespmem:$0x1E100] =	vst v63  }
0x17: {  	_ =	swait.ge [sflag:s14], $0x2710  }
0x18: {  	[sflag:s14] =	ssyncset.done $0x0  }
0x19: {  	s26 =	simm.s32 @!p0 $0x2;
	[sflag:s14] =	ssyncadd.s32 $0xFFFFD8F0  }
0x1a: {  	[spmem:s16], [sflag:s15] =	dma.local @!p0 [hbm:s9], $0x3E80  }
0x1b: {  	_ =	swait.ge @!p0 [sflag:s26], $0x3E80  }
0x1c: {  	[sflag:s26] =	ssyncset.done @!p0 $0x0  }
0x1d: {  	[sflag:s26] =	ssyncadd.s32 @!p0 $0xFFFFC180  }
0x1e: {  	s26 =	simm.s32 $0x0;
	[bflag:$0x0] =	sbarrier.arrive $0xFFFF  }
.LBB2_2:
0x1f: {  	s28 =	sshll.u32 s26, $0x7  }
0x20: {  	s29 =	sand.u32 $0x3FFFFF80, s28;
	s28 =	sadd.s32 s7, s28  }
0x21: {  	[tilespmem:s18], [sflag:$0x1] =	stream.indirect.gather [hbm4b:s5+s17], $0x80, s29, s17, $0xb8;
	[tilespmem:$0x1E100] =	vst v63  }
0x22: {  	s29 =	sshll.u32 s28, $0x4  }
0x23: {  	s28 =	sshrl.u32 s28, $0x3;
	s29 =	sadd.s32 s6, s29  }
0x24: {  	[tilespmem:s19], [sflag:$0x1] =	stream.linear.gather [hbm4b:s29+s4], $0x4000, $0x38;
	[tilespmem:$0x1E100] =	vst v63  }
0x25: {  	s28 =	sadd.s32 s1, s28  }
0x26: {  	[tilespmem:s20], [sflag:$0x1] =	stream.linear.gather [hbm4b:s28+s4], $0x80, $0x38;
	[tilespmem:$0x1E100] =	vst v63  }
0x27: {  	_ =	swait.ge [sflag:s21], $0x4000  }
0x28: {  	[sflag:s21] =	ssyncset.done $0x0  }
0x29: {  	[sflag:s21] =	ssyncadd.s32 $0xFFFFC000  }
0x2a: {  	_ =	swait.ge [sflag:s21], $0x4000  }
0x2b: {  	[sflag:s21] =	ssyncset.done $0x0  }
0x2c: {  	[sflag:s21] =	ssyncadd.s32 $0xFFFFC000  }
0x2d: {  	_ =	swait.ge [sflag:s21], $0x80  }
0x2e: {  	[sflag:s21] =	ssyncset.done $0x0  }
0x2f: {  	s28 =	simm.s32 $0x2980;
	[sflag:s21] =	ssyncadd.s32 $0xFFFFFF80  }
0x30: {  	s29 =	simm.s32 $0x6980;
	v0 =	vld [tilespmem:s28+$0x80]  }
0x31: {  	v1 =	vld [tilespmem:s29+$0x80]  }
0x32: {  	v2 =	vld [tilespmem:s28+$0xFFFFFF80]  }
0x33: {  	v3 =	vld [tilespmem:s29+$0xFFFFFF80]  }
0x34: {  	v4 =	vld [tilespmem:s28+$0x0]  }
0x35: {  	v5 =	vld [tilespmem:s29+$0x0]  }
0x36: {  	v6 =	vld [tilespmem:s28+$0xFFFFFF00];
	v0 =	vmul.f32 v1, v0  }
0x37: {  	v1 =	vld [tilespmem:s29+$0xFFFFFF00]  }
0x38: {  	[tilespmem:s28+$0x80] =	vst v0;
	v0 =	vld [tilespmem:s28+$0x90]  }
0x39: {  	v2 =	vmul.f32 v3, v2;
	v3 =	vld [tilespmem:s29+$0x90]  }
0x3a: {  	v7 =	vld [tilespmem:s28+$0xFFFFFF10]  }
0x3b: {  	[tilespmem:s28+$0xFFFFFF80] =	vst v2;
	v2 =	vmul.f32 v5, v4;
	v4 =	vld [tilespmem:s28+$0xFFFFFF90]  }
0x3c: {  	v5 =	vld [tilespmem:s29+$0xFFFFFF90];
	v1 =	vmul.f32 v1, v6  }
0x3d: {  	[tilespmem:s28+$0x0] =	vst v2;
	v2 =	vld [tilespmem:s28+$0x10]  }
0x3e: {  	v6 =	vld [tilespmem:s29+$0x10];
	[tilespmem:s28+$0xFFFFFF00] =	vst v1;
	v0 =	vmul.f32 v3, v0  }
0x3f: {  	v1 =	vld [tilespmem:s29+$0xFFFFFF10]  }
0x40: {  	[tilespmem:s28+$0x90] =	vst v0;
	v0 =	vld [tilespmem:s28+$0xA0]  }
0x41: {  	v3 =	vmul.f32 v5, v4;
	v4 =	vld [tilespmem:s29+$0xA0]  }
0x42: {  	v5 =	vld [tilespmem:s28+$0xFFFFFF20]  }
0x43: {  	[tilespmem:s28+$0xFFFFFF90] =	vst v3;
	v2 =	vmul.f32 v6, v2;
	v3 =	vld [tilespmem:s28+$0xFFFFFFA0]  }
0x44: {  	v6 =	vld [tilespmem:s29+$0xFFFFFFA0];
	v1 =	vmul.f32 v1, v7  }
0x45: {  	[tilespmem:s28+$0x10] =	vst v2;
	v2 =	vld [tilespmem:s28+$0x20]  }
0x46: {  	v7 =	vld [tilespmem:s29+$0x20];
	[tilespmem:s28+$0xFFFFFF10] =	vst v1;
	v0 =	vmul.f32 v4, v0  }
0x47: {  	v1 =	vld [tilespmem:s29+$0xFFFFFF20]  }
0x48: {  	[tilespmem:s28+$0xA0] =	vst v0;
	v0 =	vld [tilespmem:s28+$0xB0]  }
0x49: {  	v3 =	vmul.f32 v6, v3;
	v4 =	vld [tilespmem:s29+$0xB0]  }
0x4a: {  	v6 =	vld [tilespmem:s28+$0xFFFFFF30]  }
0x4b: {  	[tilespmem:s28+$0xFFFFFFA0] =	vst v3;
	v2 =	vmul.f32 v7, v2;
	v3 =	vld [tilespmem:s28+$0xFFFFFFB0]  }
0x4c: {  	v7 =	vld [tilespmem:s29+$0xFFFFFFB0];
	v1 =	vmul.f32 v1, v5  }
0x4d: {  	[tilespmem:s28+$0x20] =	vst v2;
	v2 =	vld [tilespmem:s28+$0x30]  }
0x4e: {  	v5 =	vld [tilespmem:s29+$0x30];
	[tilespmem:s28+$0xFFFFFF20] =	vst v1;
	v0 =	vmul.f32 v4, v0  }
0x4f: {  	v4 =	vld [tilespmem:s29+$0xFFFFFF30]  }
0x50: {  	v8 =	vld [tilespmem:s28+$0xC0];
	[tilespmem:s28+$0xB0] =	vst v0  }
0x51: {  	v1 =	vmul.f32 v7, v3;
	v7 =	vld [tilespmem:s29+$0xC0]  }
0x52: {  	v0 =	vld [tilespmem:s28+$0xFFFFFF40]  }
0x53: {  	[tilespmem:s28+$0xFFFFFFB0] =	vst v1;
	v2 =	vmul.f32 v5, v2;
	v1 =	vld [tilespmem:s28+$0xFFFFFFC0]  }
0x54: {  	v3 =	vld [tilespmem:s29+$0xFFFFFFC0];
	v4 =	vmul.f32 v4, v6  }
0x55: {  	[tilespmem:s28+$0x30] =	vst v2;
	v2 =	vld [tilespmem:s28+$0x40]  }
0x56: {  	[tilespmem:s28+$0xFFFFFF30] =	vst v4;
	v4 =	vld [tilespmem:s29+$0x40];
	v6 =	vmul.f32 v7, v8  }
0x57: {  	s30 =	simm.s32 $0x0;
	s31 =	simm.s32 $0x2B80;
	v5 =	vld [tilespmem:s29+$0xFFFFFF40]  }
.LBB2_3:
0x58: {  	v7 =	vld [tilespmem:s31+$0x80];
	[tilespmem:s28+$0xC0] =	vst v6;
	s29 =	sadd.s32 $0x200, s29  }
0x59: {  	s30 =	sadd.s32 $0x4, s30;
	v6 =	vld [tilespmem:s29+$0x80];
	v1 =	vmul.f32 v3, v1  }
0x5a: {  	p1 =	slt.u32 s30, $0x7C;
	v3 =	vld [tilespmem:s29+$0xFFFFFF00]  }
0x5b: {  	v8 =	vld [tilespmem:s31+$0xFFFFFF80];
	[tilespmem:s28+$0xFFFFFFC0] =	vst v1;
	v1 =	vmul.f32 v4, v2  }
0x5c: {  	v2 =	vld [tilespmem:s29+$0xFFFFFF80];
	v0 =	vmul.f32 v5, v0  }
0x5d: {  	v4 =	vld [tilespmem:s31+$0x0];
	[tilespmem:s28+$0x40] =	vst v1  }
0x5e: {  	v1 =	vld [tilespmem:s29+$0x0];
	v5 =	vmul.f32 v6, v7;
	[tilespmem:s28+$0xFFFFFF40] =	vst v0;
	s28 =	smov.u32 s31  }
0x5f: {  	v0 =	vld [tilespmem:s31+$0xFFFFFF00]  }
0x60: {  	[tilespmem:s31+$0x80] =	vst v5;
	v5 =	vld [tilespmem:s31+$0x90]  }
0x61: {  	v2 =	vmul.f32 v2, v8;
	v6 =	vld [tilespmem:s29+$0x90]  }
0x62: {  	v7 =	vld [tilespmem:s31+$0xFFFFFF10]  }
0x63: {  	[tilespmem:s31+$0xFFFFFF80] =	vst v2;
	v2 =	vld [tilespmem:s31+$0xFFFFFF90];
	v1 =	vmul.f32 v1, v4  }
0x64: {  	v0 =	vmul.f32 v3, v0;
	v3 =	vld [tilespmem:s29+$0xFFFFFF90]  }
0x65: {  	[tilespmem:s31+$0x0] =	vst v1;
	v1 =	vld [tilespmem:s31+$0x10]  }
0x66: {  	[tilespmem:s31+$0xFFFFFF00] =	vst v0;
	v0 =	vld [tilespmem:s29+$0x10];
	v4 =	vmul.f32 v6, v5  }
0x67: {  	v5 =	vld [tilespmem:s29+$0xFFFFFF10]  }
0x68: {  	[tilespmem:s31+$0x90] =	vst v4;
	v4 =	vld [tilespmem:s31+$0xA0]  }
0x69: {  	v2 =	vmul.f32 v3, v2;
	v3 =	vld [tilespmem:s29+$0xA0]  }
0x6a: {  	v6 =	vld [tilespmem:s31+$0xFFFFFF20]  }
0x6b: {  	[tilespmem:s31+$0xFFFFFF90] =	vst v2;
	v2 =	vld [tilespmem:s31+$0xFFFFFFA0];
	v0 =	vmul.f32 v0, v1  }
0x6c: {  	v1 =	vmul.f32 v5, v7;
	v5 =	vld [tilespmem:s29+$0xFFFFFFA0]  }
0x6d: {  	[tilespmem:s31+$0x10] =	vst v0;
	v0 =	vld [tilespmem:s31+$0x20]  }
0x6e: {  	[tilespmem:s31+$0xFFFFFF10] =	vst v1;
	v1 =	vld [tilespmem:s29+$0x20];
	v3 =	vmul.f32 v3, v4  }
0x6f: {  	v4 =	vld [tilespmem:s29+$0xFFFFFF20]  }
0x70: {  	[tilespmem:s31+$0xA0] =	vst v3;
	v3 =	vld [tilespmem:s31+$0xB0]  }
0x71: {  	v2 =	vmul.f32 v5, v2;
	v5 =	vld [tilespmem:s29+$0xB0]  }
0x72: {  	v7 =	vld [tilespmem:s31+$0xFFFFFF30]  }
0x73: {  	[tilespmem:s31+$0xFFFFFFA0] =	vst v2;
	v2 =	vld [tilespmem:s31+$0xFFFFFFB0];
	v0 =	vmul.f32 v1, v0  }
0x74: {  	v1 =	vmul.f32 v4, v6;
	v4 =	vld [tilespmem:s29+$0xFFFFFFB0]  }
0x75: {  	[tilespmem:s31+$0x20] =	vst v0;
	v6 =	vld [tilespmem:s31+$0x30]  }
0x76: {  	[tilespmem:s31+$0xFFFFFF20] =	vst v1;
	v8 =	vld [tilespmem:s29+$0x30];
	v0 =	vmul.f32 v5, v3  }
0x77: {  	v3 =	vld [tilespmem:s29+$0xFFFFFF30]  }
0x78: {  	[tilespmem:s31+$0xB0] =	vst v0;
	v5 =	vld [tilespmem:s31+$0xC0]  }
0x79: {  	v1 =	vmul.f32 v4, v2;
	v9 =	vld [tilespmem:s29+$0xC0]  }
0x7a: {  	v0 =	vld [tilespmem:s31+$0xFFFFFF40]  }
.Ltmp0:
0x7b: {  	[tilespmem:s31+$0xFFFFFFB0] =	vst v1;
	v1 =	vld [tilespmem:s31+$0xFFFFFFC0];
	v2 =	vmul.f32 v8, v6;
	(pc) =	sbr.rel @p1 .LBB2_3-.Ltmp0, $4  }
0x7c: {  	v4 =	vmul.f32 v3, v7;
	v3 =	vld [tilespmem:s29+$0xFFFFFFC0]  }
0x7d: {  	[tilespmem:s31+$0x30] =	vst v2;
	v2 =	vld [tilespmem:s31+$0x40]  }
0x7e: {  	[tilespmem:s31+$0xFFFFFF30] =	vst v4;
	v4 =	vld [tilespmem:s29+$0x40];
	v6 =	vmul.f32 v9, v5  }
0x7f: {  	s31 =	sadd.s32 $0x200, s31;
	v5 =	vld [tilespmem:s29+$0xFFFFFF40]  }
0x80: {  	_ =	sdelay $0x1  }
0x81: {  	v1 =	vmul.f32 v3, v1  }
0x82: {  	[tilespmem:s28+$0xC0] =	vst v6;
	v2 =	vmul.f32 v4, v2  }
0x83: {  	s26 =	sadd.s32 $0x1, s26;
	[tilespmem:s28+$0xFFFFFFC0] =	vst v1;
	v0 =	vmul.f32 v5, v0  }
0x84: {  	p1 =	sne.s32 s26, $0x4E;
	[tilespmem:s28+$0x40] =	vst v2  }
.Ltmp1:
0x85: {  	[tilespmem:s28+$0xFFFFFF40] =	vst v0;
	(pc) =	sbr.rel @p1 .LBB2_2-.Ltmp1, $4  }
0x86: {  	[spmem:s2] =	stream.indirect.scatter.add.f32 [tilespmem:s18], [sflag:$0x2], $0x80, s20, s17, $0xb8;
	[tilespmem:$0x1E100] =	vst v63  }
0x87: {  	_ =	swait.ge [sflag:s14], $0x4000  }
0x88: {  	[sflag:s14] =	ssyncset.done $0x0  }
0x89: {  	[sflag:s14] =	ssyncadd.s32 $0xFFFFC000  }
0x8a: {  	[tilespmem:s18], [sflag:$0x1] =	stream.indirect.gather [hbm4b:s5+s22], $0x80, s23, s22, $0xb8;
	[tilespmem:$0x1E100] =	vst v63  }
0x8b: {  	_ = 	snop  }
0x8c: {  	[tilespmem:s19], [sflag:$0x1] =	stream.linear.gather [hbm4b:s10+s4], $0x800, $0x38;
	[tilespmem:$0x1E100] =	vst v63  }
0x8d: {  	_ = 	snop  }
0x8e: {  	[tilespmem:s24], [sflag:$0x1] =	stream.linear.gather [hbm4b:s11+s4], $0x10, $0x38;
	[tilespmem:$0x1E100] =	vst v63  }
0x8f: {  	_ =	swait.ge [sflag:s21], $0x800  }
0x90: {  	[sflag:s21] =	ssyncset.done $0x0  }
0x91: {  	[sflag:s21] =	ssyncadd.s32 $0xFFFFF800  }
0x92: {  	_ =	swait.ge [sflag:s21], $0x800  }
0x93: {  	[sflag:s21] =	ssyncset.done $0x0  }
0x94: {  	[sflag:s21] =	ssyncadd.s32 $0xFFFFF800  }
0x95: {  	_ =	swait.ge [sflag:s21], $0x10  }
0x96: {  	[sflag:s21] =	ssyncset.done $0x0  }
0x97: {  	s26 =	simm.s32 $0x2980;
	[sflag:s21] =	ssyncadd.s32 $0xFFFFFFF0  }
0x98: {  	s28 =	simm.s32 $0x6980;
	v0 =	vld [tilespmem:s26+$0x80]  }
0x99: {  	v1 =	vld [tilespmem:s28+$0x80]  }
0x9a: {  	v2 =	vld [tilespmem:s26+$0xFFFFFF80]  }
0x9b: {  	v3 =	vld [tilespmem:s28+$0xFFFFFF80]  }
0x9c: {  	v4 =	vld [tilespmem:s26+$0x0]  }
0x9d: {  	v5 =	vld [tilespmem:s28+$0x0]  }
0x9e: {  	v6 =	vld [tilespmem:s26+$0xFFFFFF00];
	v0 =	vmul.f32 v1, v0  }
0x9f: {  	v1 =	vld [tilespmem:s28+$0xFFFFFF00]  }
0xa0: {  	[tilespmem:s26+$0x80] =	vst v0;
	v0 =	vld [tilespmem:s26+$0x90]  }
0xa1: {  	v2 =	vmul.f32 v3, v2;
	v3 =	vld [tilespmem:s28+$0x90]  }
0xa2: {  	v7 =	vld [tilespmem:s26+$0xFFFFFF10]  }
0xa3: {  	[tilespmem:s26+$0xFFFFFF80] =	vst v2;
	v2 =	vmul.f32 v5, v4;
	v4 =	vld [tilespmem:s26+$0xFFFFFF90]  }
0xa4: {  	v5 =	vld [tilespmem:s28+$0xFFFFFF90];
	v1 =	vmul.f32 v1, v6  }
0xa5: {  	[tilespmem:s26+$0x0] =	vst v2;
	v2 =	vld [tilespmem:s26+$0x10]  }
0xa6: {  	v6 =	vld [tilespmem:s28+$0x10];
	[tilespmem:s26+$0xFFFFFF00] =	vst v1;
	v0 =	vmul.f32 v3, v0  }
0xa7: {  	v1 =	vld [tilespmem:s28+$0xFFFFFF10]  }
0xa8: {  	[tilespmem:s26+$0x90] =	vst v0;
	v0 =	vld [tilespmem:s26+$0xA0]  }
0xa9: {  	v3 =	vmul.f32 v5, v4;
	v4 =	vld [tilespmem:s28+$0xA0]  }
0xaa: {  	v5 =	vld [tilespmem:s26+$0xFFFFFF20]  }
0xab: {  	[tilespmem:s26+$0xFFFFFF90] =	vst v3;
	v2 =	vmul.f32 v6, v2;
	v3 =	vld [tilespmem:s26+$0xFFFFFFA0]  }
0xac: {  	v6 =	vld [tilespmem:s28+$0xFFFFFFA0];
	v1 =	vmul.f32 v1, v7  }
0xad: {  	[tilespmem:s26+$0x10] =	vst v2;
	v2 =	vld [tilespmem:s26+$0x20]  }
0xae: {  	v7 =	vld [tilespmem:s28+$0x20];
	[tilespmem:s26+$0xFFFFFF10] =	vst v1;
	v0 =	vmul.f32 v4, v0  }
0xaf: {  	v1 =	vld [tilespmem:s28+$0xFFFFFF20]  }
0xb0: {  	[tilespmem:s26+$0xA0] =	vst v0;
	v0 =	vld [tilespmem:s26+$0xB0]  }
0xb1: {  	v3 =	vmul.f32 v6, v3;
	v4 =	vld [tilespmem:s28+$0xB0]  }
0xb2: {  	v6 =	vld [tilespmem:s26+$0xFFFFFF30]  }
0xb3: {  	[tilespmem:s26+$0xFFFFFFA0] =	vst v3;
	v2 =	vmul.f32 v7, v2;
	v3 =	vld [tilespmem:s26+$0xFFFFFFB0]  }
0xb4: {  	v7 =	vld [tilespmem:s28+$0xFFFFFFB0];
	v1 =	vmul.f32 v1, v5  }
0xb5: {  	[tilespmem:s26+$0x20] =	vst v2;
	v2 =	vld [tilespmem:s26+$0x30]  }
0xb6: {  	v5 =	vld [tilespmem:s28+$0x30];
	[tilespmem:s26+$0xFFFFFF20] =	vst v1;
	v0 =	vmul.f32 v4, v0  }
0xb7: {  	v4 =	vld [tilespmem:s28+$0xFFFFFF30]  }
0xb8: {  	v8 =	vld [tilespmem:s26+$0xC0];
	[tilespmem:s26+$0xB0] =	vst v0  }
0xb9: {  	v1 =	vmul.f32 v7, v3;
	v7 =	vld [tilespmem:s28+$0xC0]  }
0xba: {  	v0 =	vld [tilespmem:s26+$0xFFFFFF40]  }
0xbb: {  	[tilespmem:s26+$0xFFFFFFB0] =	vst v1;
	v2 =	vmul.f32 v5, v2;
	v1 =	vld [tilespmem:s26+$0xFFFFFFC0]  }
0xbc: {  	v3 =	vld [tilespmem:s28+$0xFFFFFFC0];
	v4 =	vmul.f32 v4, v6  }
0xbd: {  	[tilespmem:s26+$0x30] =	vst v2;
	v2 =	vld [tilespmem:s26+$0x40]  }
0xbe: {  	[tilespmem:s26+$0xFFFFFF30] =	vst v4;
	v4 =	vld [tilespmem:s28+$0x40];
	v6 =	vmul.f32 v7, v8  }
0xbf: {  	s29 =	simm.s32 $0x0;
	s30 =	simm.s32 $0x2B80;
	v5 =	vld [tilespmem:s28+$0xFFFFFF40]  }
.LBB2_6:
0xc0: {  	v7 =	vld [tilespmem:s30+$0x80];
	[tilespmem:s26+$0xC0] =	vst v6;
	s28 =	sadd.s32 $0x200, s28  }
0xc1: {  	s29 =	sadd.s32 $0x4, s29;
	v6 =	vld [tilespmem:s28+$0x80];
	v1 =	vmul.f32 v3, v1  }
0xc2: {  	p1 =	slt.u32 s29, $0xC;
	v3 =	vld [tilespmem:s28+$0xFFFFFF00]  }
0xc3: {  	v8 =	vld [tilespmem:s30+$0xFFFFFF80];
	[tilespmem:s26+$0xFFFFFFC0] =	vst v1;
	v1 =	vmul.f32 v4, v2  }
0xc4: {  	v2 =	vld [tilespmem:s28+$0xFFFFFF80];
	v0 =	vmul.f32 v5, v0  }
0xc5: {  	v4 =	vld [tilespmem:s30+$0x0];
	[tilespmem:s26+$0x40] =	vst v1  }
0xc6: {  	v1 =	vld [tilespmem:s28+$0x0];
	v5 =	vmul.f32 v6, v7;
	[tilespmem:s26+$0xFFFFFF40] =	vst v0;
	s26 =	smov.u32 s30  }
0xc7: {  	v0 =	vld [tilespmem:s30+$0xFFFFFF00]  }
0xc8: {  	[tilespmem:s30+$0x80] =	vst v5;
	v5 =	vld [tilespmem:s30+$0x90]  }
0xc9: {  	v2 =	vmul.f32 v2, v8;
	v6 =	vld [tilespmem:s28+$0x90]  }
0xca: {  	v7 =	vld [tilespmem:s30+$0xFFFFFF10]  }
0xcb: {  	[tilespmem:s30+$0xFFFFFF80] =	vst v2;
	v2 =	vld [tilespmem:s30+$0xFFFFFF90];
	v1 =	vmul.f32 v1, v4  }
0xcc: {  	v0 =	vmul.f32 v3, v0;
	v3 =	vld [tilespmem:s28+$0xFFFFFF90]  }
0xcd: {  	[tilespmem:s30+$0x0] =	vst v1;
	v1 =	vld [tilespmem:s30+$0x10]  }
0xce: {  	[tilespmem:s30+$0xFFFFFF00] =	vst v0;
	v0 =	vld [tilespmem:s28+$0x10];
	v4 =	vmul.f32 v6, v5  }
0xcf: {  	v5 =	vld [tilespmem:s28+$0xFFFFFF10]  }
0xd0: {  	[tilespmem:s30+$0x90] =	vst v4;
	v4 =	vld [tilespmem:s30+$0xA0]  }
0xd1: {  	v2 =	vmul.f32 v3, v2;
	v3 =	vld [tilespmem:s28+$0xA0]  }
0xd2: {  	v6 =	vld [tilespmem:s30+$0xFFFFFF20]  }
0xd3: {  	[tilespmem:s30+$0xFFFFFF90] =	vst v2;
	v2 =	vld [tilespmem:s30+$0xFFFFFFA0];
	v0 =	vmul.f32 v0, v1  }
0xd4: {  	v1 =	vmul.f32 v5, v7;
	v5 =	vld [tilespmem:s28+$0xFFFFFFA0]  }
0xd5: {  	[tilespmem:s30+$0x10] =	vst v0;
	v0 =	vld [tilespmem:s30+$0x20]  }
0xd6: {  	[tilespmem:s30+$0xFFFFFF10] =	vst v1;
	v1 =	vld [tilespmem:s28+$0x20];
	v3 =	vmul.f32 v3, v4  }
0xd7: {  	v4 =	vld [tilespmem:s28+$0xFFFFFF20]  }
0xd8: {  	[tilespmem:s30+$0xA0] =	vst v3;
	v3 =	vld [tilespmem:s30+$0xB0]  }
0xd9: {  	v2 =	vmul.f32 v5, v2;
	v5 =	vld [tilespmem:s28+$0xB0]  }
0xda: {  	v7 =	vld [tilespmem:s30+$0xFFFFFF30]  }
0xdb: {  	[tilespmem:s30+$0xFFFFFFA0] =	vst v2;
	v2 =	vld [tilespmem:s30+$0xFFFFFFB0];
	v0 =	vmul.f32 v1, v0  }
0xdc: {  	v1 =	vmul.f32 v4, v6;
	v4 =	vld [tilespmem:s28+$0xFFFFFFB0]  }
0xdd: {  	[tilespmem:s30+$0x20] =	vst v0;
	v6 =	vld [tilespmem:s30+$0x30]  }
0xde: {  	[tilespmem:s30+$0xFFFFFF20] =	vst v1;
	v8 =	vld [tilespmem:s28+$0x30];
	v0 =	vmul.f32 v5, v3  }
0xdf: {  	v3 =	vld [tilespmem:s28+$0xFFFFFF30]  }
0xe0: {  	[tilespmem:s30+$0xB0] =	vst v0;
	v5 =	vld [tilespmem:s30+$0xC0]  }
0xe1: {  	v1 =	vmul.f32 v4, v2;
	v9 =	vld [tilespmem:s28+$0xC0]  }
0xe2: {  	v0 =	vld [tilespmem:s30+$0xFFFFFF40]  }
.Ltmp2:
0xe3: {  	[tilespmem:s30+$0xFFFFFFB0] =	vst v1;
	v1 =	vld [tilespmem:s30+$0xFFFFFFC0];
	v2 =	vmul.f32 v8, v6;
	(pc) =	sbr.rel @p1 .LBB2_6-.Ltmp2, $4  }
0xe4: {  	v4 =	vmul.f32 v3, v7;
	v3 =	vld [tilespmem:s28+$0xFFFFFFC0]  }
0xe5: {  	[tilespmem:s30+$0x30] =	vst v2;
	v2 =	vld [tilespmem:s30+$0x40]  }
0xe6: {  	[tilespmem:s30+$0xFFFFFF30] =	vst v4;
	v4 =	vld [tilespmem:s28+$0x40];
	v6 =	vmul.f32 v9, v5  }
0xe7: {  	s30 =	sadd.s32 $0x200, s30;
	v5 =	vld [tilespmem:s28+$0xFFFFFF40]  }
0xe8: {  	_ =	sdelay $0x1  }
0xe9: {  	v1 =	vmul.f32 v3, v1  }
0xea: {  	[tilespmem:s26+$0xC0] =	vst v6;
	v2 =	vmul.f32 v4, v2  }
0xeb: {  	[tilespmem:s26+$0xFFFFFFC0] =	vst v1;
	v0 =	vmul.f32 v5, v0  }
0xec: {  	[tilespmem:s26+$0x40] =	vst v2  }
0xed: {  	[tilespmem:s26+$0xFFFFFF40] =	vst v0  }
0xee: {  	[spmem:s2] =	stream.indirect.scatter.add.f32 [tilespmem:s18], [sflag:$0x2], $0x80, s24, s22, $0xb8;
	[tilespmem:$0x1E100] =	vst v63  }
0xef: {  	_ =	swait.ge [sflag:s14], $0x800  }
0xf0: {  	s25 =	sadd.s32 $0x1, s25;
	[sflag:s14] =	ssyncset.done $0x0  }
0xf1: {  	p1 =	sne.s32 s25, s13;
	[sflag:s14] =	ssyncadd.s32 $0xFFFFF800  }
.Ltmp3:
0xf2: {  	s26 =	simm.s32 @!p0 $0x2;
	[bflag:$0x0] =	sbarrier.arrive $0xFFFF;
	(pc) =	sbr.rel @p1 .LBB2_1-.Ltmp3, $4  }
0xf3: {  	[hbm:s12], [sflag:s15] =	dma.local @!p0 [spmem:s16], $0x3E80  }
0xf4: {  	_ =	swait.ge @!p0 [sflag:s26], $0x3E80  }
0xf5: {  	[sflag:s26] =	ssyncset.done @!p0 $0x0  }
0xf6: {  	[sflag:s26] =	ssyncadd.s32 @!p0 $0xFFFFC180  }
0xf7: {  	_ =	sfence.sel $0x180000  }
0xf8: {  	[bflag:$0x0] =	sbarrier.arrive $0xFFFF  }
0xf9: {  	p0 =	sne.s32 s3, $0x0;
	_ =	strace $0x9000004A  }
0xfa: {  	s0 =	sadd.s32 @!p0 $0x100000, s0;
	[bflag:$0x2] =	sbarrier.arrive $0xFFFF  }
0xfb: {  	[sflag:s0] =	ssyncadd.tile.s32 @!p0 $0x1;
	_ =	shalt  }
.Lfunc_end2:
_tile_overlayer_lowered:
.L_overlay_start_2:
0xfc: {  	(tag) =	ssettag $0x2  }
0xfd: {  	s0 =	rddreg [dreg:$0x0];
	s2 =	stileid.u32  }
0xfe: {  	s1 =	rddreg [dreg:$0x1];
	p0 =	sne.s32 s2, $0x0  }
0xff: {  	s3 =	rddreg [dreg:$0x2];
	[bflag:$0x3] =	sbarrier.arrive $0xFFFF;
	s2 =	simm.s32 @!p0 $0x1C02  }
0x100: {  	[timem:s3], [sflag:s2] =	dma.local @!p0 [hbm:s0], s1  }
0x101: {  	s0 =	simm.s32 @!p0 $0x2  }
0x102: {  	_ =	swait.ge @!p0 [sflag:s0], s1  }
0x103: {  	s1 =	ssub.s32 @!p0 $0x0, s1;
	[sflag:s0] =	ssyncset.done @!p0 $0x0  }
0x104: {  	[sflag:s0] =	ssyncadd.s32 @!p0 s1  }
0x105: {  	[bflag:$0x3] =	sbarrier.arrive $0xFFFF  }
0x106: {  	_ =	shalt  }

// kernel: kernel.15.cloned.1.call-start
scs
__scs_entry_jumppad:
0x0: {  	(pc) =	sbr.rel $0x88, $3  }
0x1: {  	(tag) =	ssettag $0x0;
	lr =	simm.s32 $0x1  }
0x2: {  	[smem:$0x3F8A] =	sst lr;
	_ =	strace $0xD0000000  }
0x3: {  	_ = 	snop  }
0x4: {  	_ = 	snop  }
0x5: {  	_ = 	snop  }
0x6: {  	_ = 	snop  }
0x7: {  	_ = 	snop  }
__scs_overlays_trampoline_lowered:
0x8: {  	[smem:$0x3F99] =	sst s0  }
0x9: {  	[smem:$0x3F9A] =	sst s1  }
0xa: {  	[smem:$0x3F9B] =	sst s2  }
0xb: {  	[smem:$0x3F9C] =	sst s3  }
0xc: {  	[smem:$0x3F9D] =	sst s4  }
0xd: {  	[smem:$0x3F9E] =	sst s5  }
0xe: {  	[smem:$0x3F9F] =	sst s6  }
0xf: {  	[smem:$0x3FA0] =	sst s7  }
0x10: {  	[smem:$0x3FA1] =	sst s8  }
0x11: {  	[smem:$0x3FA2] =	sst s9;
	s0 =	simm.s32 @!p0 $0x0  }
0x12: {  	s1 =	sld [smem:$0x3F88];
	s0 =	simm.s32 @p0 $0x1  }
0x13: {  	[smem:$0x3FA3] =	sst s0;
	s0 =	simm.s32 @!p1 $0x0  }
0x14: {  	s2 =	sld [smem:$0x3F87];
	s0 =	simm.s32 @p1 $0x1  }
0x15: {  	[smem:$0x3FA4] =	sst s0;
	s0 =	simm.s32 @!p2 $0x0  }
0x16: {  	s3 =	sld [smem:$0x3FDB];
	s0 =	simm.s32 @p2 $0x1  }
0x17: {  	s4 =	simm.s32 $0x1BF5;
	[smem:$0x3FA6] =	sst s0  }
0x18: {  	s0 =	sld [smem:$0x3F89];
	_ =	swait.ge [sflag:s4], $0x0  }
0x19: {  	s7 =	sld [smem:$0x3F8A]  }
0x1a: {  	s8 =	sadd.s32 $0xFFFFE003, lr  }
0x1b: {  	s9 =	sadd.s32 $0xFFFFFEF7, lr;
	s5 =	simm.s32 $0xFFFFFFFF;
	p2 =	slt.u32 s8, $0xFFFFF086  }
0x1c: {  	p1 =	slt.u32 s9, $0xF7A;
	s5 =	simm.s32 @!p2 $0x0  }
0x1d: {  	s5 =	simm.s32 @p1 $0x1;
	p0 =	seq.s32 s7, s2  }
0x1e: {  	s7 =	smul.u32 @!p0 $0xF7A, s2;
	p2 =	seq.s32 @!p0 s5, $0x0  }
0x1f: {  	s9 =	smul.u32 $0xF7A, s1;
	s8 =	simm.s32 @!p0 $0x1BF5;
	p2 =	por !p2, p0  }
0x20: {  	[sflag:s8] =	ssyncset.s32 @!p0 $0xFFFFF086;
	s6 =	sadd.s32 @!p0 s3, s7;
	s7 =	simm.s32 @!p0 $0x108  }
0x21: {  	s3 =	sadd.s32 s3, s9;
	s6 =	sadd.s32 @!p0 $0x88, s6;
	s7 =	simm.s32 @p2 $0x1082  }
0x22: {  	[simem:s7], [sflag:s8] =	dma.local @!p0 [hbm:s6], $0xF7A  }
0x23: {  	s9 =	sor.u32 $0xD0000000, s2;
	s6 =	simm.s32 $0x108;
	_ =	swait.ge @!p0 [sflag:s8], $0x0  }
0x24: {  	s3 =	sadd.s32 $0x88, s3;
	s6 =	simm.s32 @!p1 $0x1082;
	[sflag:s4] =	ssyncset.s32 $0xFFFFF086  }
0x25: {  	[simem:s6], [sflag:s4] =	dma.local [hbm:s3], $0xF7A  }
0x26: {  	[smem:$0x3F8A] =	sst s1;
	(tag) =	ssettag s2;
	_ =	strace s9  }
0x27: {  	s1 =	sld [smem:$0x3F9A]  }
0x28: {  	s2 =	sld [smem:$0x3F9B]  }
0x29: {  	s4 =	sld [smem:$0x3F9D]  }
0x2a: {  	p0 =	seq.s32 s5, $0x0;
	s5 =	sld [smem:$0x3F9E]  }
0x2b: {  	s6 =	sld [smem:$0x3F9F]  }
0x2c: {  	s7 =	sld [smem:$0x3FA0]  }
0x2d: {  	s3 =	simm.s32 $0x108;
	s8 =	sld [smem:$0x3FA1]  }
0x2e: {  	s3 =	simm.s32 @!p0 $0x1082;
	s9 =	sld [smem:$0x3FA2]  }
0x2f: {  	lr =	sadd.s32 s0, s3;
	s0 =	sld [smem:$0x3F99]  }
0x30: {  	s3 =	sld [smem:$0x3F9C]  }
0x31: {  	[smem:$0x3FA5] =	sst s10  }
0x32: {  	s10 =	sld [smem:$0x3FA3];
	_ =	sdelay $0x3  }
0x33: {  	p0 =	seq.s32 s10, $0x1;
	s10 =	sld [smem:$0x3FA5];
	_ =	sdelay $0x3  }
0x34: {  	[smem:$0x3FA5] =	sst s10  }
0x35: {  	s10 =	sld [smem:$0x3FA4];
	_ =	sdelay $0x3  }
0x36: {  	p1 =	seq.s32 s10, $0x1;
	s10 =	sld [smem:$0x3FA5];
	_ =	sdelay $0x3  }
0x37: {  	[smem:$0x3FA5] =	sst s10  }
0x38: {  	s10 =	sld [smem:$0x3FA6]  }
0x39: {  	_ = 	snop;
	(pc) =	sbr.ind lr, $3  }
0x3a: {  	_ = 	snop  }
0x3b: {  	_ = 	snop  }
0x3c: {  	p2 =	seq.s32 s10, $0x1;
	s10 =	sld [smem:$0x3FA5]  }
0x3d: {  	_ =	shalt  }
0x3e: {  	_ =	shalt  }
0x3f: {  	_ =	shalt  }
0x40: {  	_ =	shalt  }
0x41: {  	_ =	shalt  }
0x42: {  	_ =	shalt  }
0x43: {  	_ =	shalt  }
0x44: {  	_ =	shalt  }
0x45: {  	_ =	shalt  }
0x46: {  	_ =	shalt  }
0x47: {  	_ =	shalt  }
0x48: {  	_ =	shalt  }
0x49: {  	_ =	shalt  }
0x4a: {  	_ =	shalt  }
0x4b: {  	_ =	shalt  }
0x4c: {  	_ =	shalt  }
0x4d: {  	_ =	shalt  }
0x4e: {  	_ =	shalt  }
0x4f: {  	_ =	shalt  }
0x50: {  	_ =	shalt  }
0x51: {  	_ =	shalt  }
0x52: {  	_ =	shalt  }
0x53: {  	_ =	shalt  }
0x54: {  	_ =	shalt  }
0x55: {  	_ =	shalt  }
0x56: {  	_ =	shalt  }
0x57: {  	_ =	shalt  }
0x58: {  	_ =	shalt  }
0x59: {  	_ =	shalt  }
0x5a: {  	_ =	shalt  }
0x5b: {  	_ =	shalt  }
0x5c: {  	_ =	shalt  }
0x5d: {  	_ =	shalt  }
0x5e: {  	_ =	shalt  }
0x5f: {  	_ =	shalt  }
0x60: {  	_ =	shalt  }
0x61: {  	_ =	shalt  }
0x62: {  	_ =	shalt  }
0x63: {  	_ =	shalt  }
0x64: {  	_ =	shalt  }
0x65: {  	_ =	shalt  }
0x66: {  	_ =	shalt  }
0x67: {  	_ =	shalt  }
0x68: {  	_ =	shalt  }
0x69: {  	_ =	shalt  }
0x6a: {  	_ =	shalt  }
0x6b: {  	_ =	shalt  }
0x6c: {  	_ =	shalt  }
0x6d: {  	_ =	shalt  }
0x6e: {  	_ =	shalt  }
0x6f: {  	_ =	shalt  }
0x70: {  	_ =	shalt  }
0x71: {  	_ =	shalt  }
0x72: {  	_ =	shalt  }
0x73: {  	_ =	shalt  }
0x74: {  	_ =	shalt  }
0x75: {  	_ =	shalt  }
0x76: {  	_ =	shalt  }
0x77: {  	_ =	shalt  }
0x78: {  	_ =	shalt  }
0x79: {  	_ =	shalt  }
0x7a: {  	_ =	shalt  }
0x7b: {  	_ =	shalt  }
0x7c: {  	_ =	shalt  }
0x7d: {  	_ =	shalt  }
0x7e: {  	_ =	shalt  }
0x7f: {  	_ =	shalt  }
0x80: {  	_ =	shalt  }
0x81: {  	_ =	shalt  }
0x82: {  	_ =	shalt  }
0x83: {  	_ =	shalt  }
0x84: {  	_ =	shalt  }
0x85: {  	_ =	shalt  }
0x86: {  	_ =	shalt  }
0x87: {  	_ =	shalt  }
.Lfunc_end0:
.L_simem_size_0:
called_computation.2_lowered:
.L_overlay_start_0:
0x88: {  	s2 =	sld [smem:$0x3FD9]  }
0x89: {  	s3 =	sld [smem:$0x3FFE];
	_ =	sdelay $0x1  }
0x8a: {  	s1 =	srdreg.scid  }
0x8b: {  	s0 =	sand.u32 $0x1, s1  }
0x8c: {  	s17 =	sshll.u32 s0, $0xA;
	s2 =	sadd.s32 s3, s2  }
0x8d: {  	s2 =	sadd.s32 s2, s17  }
0x8e: {  	[smem:$0x3FB1] =	sst s2  }
0x8f: {  	_ = 	snop  }
0x90: {  	s2 =	sld [smem:$0x3FC7]  }
0x91: {  	s18 =	sld [smem:$0x3FC6];
	(tm) =	ssettm $0x1  }
0x92: {  	s4 =	sld [smem:$0x3FFB];
	_ =	sdelay $0x3  }
0x93: {  	_ =	strace s4  }
0x94: {  	s4 =	sld [smem:$0x3FFC];
	_ =	sdelay $0x3  }
0x95: {  	_ =	strace s4  }
0x96: {  	s4 =	sld [smem:$0x3FFD];
	_ =	sdelay $0x3  }
0x97: {  	_ =	strace s4  }
0x98: {  	_ =	strace $0x8FFFFFFF  }
0x99: {  	s19 =	sld [smem:$0x3FDB];
	_ =	sdelay $0x1  }
0x9a: {  	s5 =	simm.s32 $_scs_section_size  }
0x9b: {  	s6 =	simm.s32 $_size__tile_overlayer_lowered;
	s7 =	simm.s32 $_tile_overlayer_lowered  }
0x9c: {  	s22 =	simm.s32 $0x1BFF;
	s21 =	sshll.u32 s7, $0x1;
	s4 =	sadd.s32 s5, s19  }
0x9d: {  	s8 =	simm.s32 $0x0;
	s20 =	sshll.u32 s6, $0x1;
	s6 =	sadd.s32 s21, s4  }
0x9e: {  	[timem:s8], [sflag:s22] =	dma.local [hbm:s6], s20  }
0x9f: {  	_ =	swait.ge [sflag:s22], s20  }
0xa0: {  	s5 =	ssub.s32 $0x0, s20;
	[sflag:s22] =	ssyncset.done $0x0  }
0xa1: {  	[sflag:s22] =	ssyncadd.s32 s5;
	_ =	sdelay $0x1  }
0xa2: {  	s23 =	simm.s32 $0x1B8B  }
0xa3: {  	_ =	swait.ge [sflag:s23], $0x1  }
0xa4: {  	[sflag:s23] =	ssyncset.done $0x0  }
0xa5: {  	s25 =	simm.s32 $0x1B8E;
	s24 =	sld [smem:$0x3FFE];
	[sflag:s23] =	ssyncadd.s32 $0xFFFFFFFF  }
0xa6: {  	s26 =	simm.s32 $execute0_lowered;
	[smem:$0x3FD2] =	sst s25  }
0xa7: {  	s6 =	sshll.u32 s26, $0x1;
	_ =	strace $0x8000004C;
	[dreg:$0x1] =	wrdreg $0xFFFFFFFF  }
0xa8: {  	s28 =	simm.s32 $_size_execute0_lowered;
	s4 =	sadd.s32 s4, s6;
	[dreg:$0x0] =	wrdreg $0x0  }
0xa9: {  	s6 =	sshll.u32 s28, $0x1;
	[dreg:$0x2] =	wrdreg s4  }
0xaa: {  	[dreg:$0x3] =	wrdreg s6  }
0xab: {  	[dreg:$0x4] =	wrdreg $0xC0  }
0xac: {  	_ =	task [dreg:s8], $0x5FFFF  }
0xad: {  	[dreg:$0x1] =	wrdreg $0xFFFFFFFF  }
0xae: {  	[dreg:$0x0] =	wrdreg $0x60  }
0xaf: {  	[dreg:$0x2] =	wrdreg s24  }
0xb0: {  	[dreg:$0x3] =	wrdreg s2  }
0xb1: {  	[dreg:$0x4] =	wrdreg s18  }
0xb2: {  	[dreg:$0x5] =	wrdreg $0x7B800  }
0xb3: {  	[dreg:$0x6] =	wrdreg $0x9  }
0xb4: {  	_ =	task.clear_ibuf [dreg:s8], $0x7FFFF;
	_ =	strace $0x9000004C  }
0xb5: {  	s29 =	simm.s32 $0x9;
	_ =	strace $0x8000004E  }
0xb6: {  	_ =	swait.ge [sflag:s29], $0x1  }
0xb7: {  	[sflag:s29] =	ssyncadd.s32 $0xFFFFFFFF  }
0xb8: {  	_ =	strace $0x9000004E  }
0xb9: {  	_ =	sfence  }
0xba: {  	s30 =	sld [smem:$0x0];
	_ =	sdelay $0x2  }
0xbb: {  	s31 =	sshll.u32 s1, $0xD;
	s1 =	sshrl.u32 s1, $0x2  }
0xbc: {  	s3 =	sand.u32 $0x4000, s31;
	s1 =	sadd.s32 s1, s30  }
0xbd: {  	s0 =	sor.u32 s3, s0;
	s1 =	sshll.u32 s1, $0x11  }
0xbe: {  	s0 =	sor.u32 s1, s0  }
0xbf: {  	s0 =	sadd.s32 $0x8F2B, s0  }
0xc0: {  	[sflag:s0] =	ssyncadd.remote.s32 $0x1  }
0xc1: {  	_ =	sfence.sel $0xFFFF  }
0xc2: {  	[dreg:$0x0] =	wrdreg $0xFFFFFFFF;
	(pc) =	sbr.abs _section_cstart, $3  }
0xc3: {  	[dreg:$0x1] =	wrdreg $0xFFFFFFFF  }
0xc4: {  	_ =	task.clear_ibuf [dreg:s8], $0x2FFFF;
	_ =	strace $0x9FFFFFFF  }
0xc5: {  	(tm) =	ssettm $0x7FFFFFFF  }
tec
execute0_lowered:
.L_overlay_start_1:
0x0: {  	(tag) =	ssettag $0x1  }
0x1: {  	s5 =	rddreg [dreg:$0x0]  }
0x2: {  	s6 =	rddreg [dreg:$0x1]  }
0x3: {  	s0 =	srdreg.scid;
	s11 =	rddreg [dreg:$0x2]  }
0x4: {  	s2 =	rddreg [dreg:$0x3];
	s7 =	sand.u32 $0x1, s0;
	s0 =	stileid.u32  }
0x5: {  	s3 =	simm.s32 $0x0;
	s17 =	simm.s32 $0x7700;
	s9 =	smul.u32 $0x3E8, s0  }
0x6: {  	s18 =	simm.s32 $0x0;
	[smem:$0x7FF] =	sst s3;
	s10 =	smul.u32 $0x2710, s7  }
0x7: {  	s1 =	sshll.u32 s7, $0x4;
	s14 =	ssub.s32 $0x2, s7;
	s15 =	smul.u32 $0x27100, s7  }
0x8: {  	s16 =	smul.u32 $0x2710, s0;
	p0 =	sgt.u32 s0, $0x9;
	s4 =	sor.u32 s0, s1  }
0x9: {  	s1 =	rddreg [dreg:$0x4];
	_ =	strace $0x8000004D;
	s30 =	sshrl.u32 s14, $0x1  }
0xa: {  	s8 =	smul.u32 $0x2710, s4;
	s4 =	sadd.s32 $0x2600, s5;
	s12 =	sshrl.u32 s9, $0x3  }
0xb: {  	s10 =	sadd.s32 s9, s10;
	s14 =	ssub.s32 s14, s30;
	s31 =	sadd.s32 s16, s15  }
0xc: {  	s15 =	simm.s32 $0x7680;
	s16 =	simm.s32 $0x50;
	s10 =	sshrl.u32 s10, $0x3  }
0xd: {  	s12 =	sadd.s32 s12, s5;
	s8 =	sshrl.u32 s8, $0x3;
	s10 =	sadd.s32 s10, s5  }
0xe: {  	s7 =	sadd.s32 $0x2C00, s12;
	s12 =	sshrl.u32 s31, $0x3;
	s13 =	sadd.s32 s8, s5  }
0xf: {  	s5 =	sadd.s32 s6, s8;
	s8 =	sadd.s32 s9, s2;
	s9 =	sadd.s32 $0x3200, s10  }
0x10: {  	s10 =	smax.u32 s14, $0x1;
	s11 =	sadd.s32 s12, s11;
	s12 =	simm.s32 $0x1  }
0x11: {  	s14 =	simm.s32 $0x4F00;
	s6 =	sadd.s32 $0x55A200, s13;
	s13 =	simm.s32 $0x2780  }
.LBB2_1:
0x12: {  	[tilespmem:s3], [sflag:$0x1] =	stream.linear.gather [hbm4b:s4+s3], $0x2780, $0x38;
	[tilespmem:$0x7DF8] =	vst v63  }
0x13: {  	_ =	swait.ge [sflag:s12], $0x2780  }
0x14: {  	[sflag:s12] =	ssyncset.done $0x0  }
0x15: {  	[sflag:s12] =	ssyncadd.s32 $0xFFFFD880  }
0x16: {  	[tilespmem:s13], [sflag:$0x1] =	stream.linear.gather [hbm4b:s5+s3], $0x2710, $0x38;
	[tilespmem:$0x7DF8] =	vst v63  }
0x17: {  	_ =	swait.ge [sflag:s12], $0x2710  }
0x18: {  	[sflag:s12] =	ssyncset.done $0x0  }
0x19: {  	[sflag:s12] =	ssyncadd.s32 $0xFFFFD8F0  }
0x1a: {  	[tilespmem:s14], [sflag:$0x1] =	stream.linear.gather [hbm4b:s6+s3], $0x2710, $0x38;
	[tilespmem:$0x7DF8] =	vst v63  }
0x1b: {  	_ =	swait.ge [sflag:s12], $0x2710  }
0x1c: {  	[sflag:s12] =	ssyncset.done $0x0  }
0x1d: {  	s19 =	simm.s32 @!p0 $0x0;
	s20 =	simm.s32 @!p0 $0x7780;
	[sflag:s12] =	ssyncadd.s32 $0xFFFFD8F0  }
0x1e: {  	[tilespmem:s20], [sflag:$0x1] =	stream.linear.gather @!p0 [hbm4b:s7+s19], $0x3E8, $0x38;
	[tilespmem:$0x7DF8] =	vst v63  }
0x1f: {  	s19 =	simm.s32 @!p0 $0x1  }
0x20: {  	_ =	swait.ge @!p0 [sflag:s19], $0x3E8  }
0x21: {  	[sflag:s19] =	ssyncset.done @!p0 $0x0  }
0x22: {  	[sflag:s19] =	ssyncadd.s32 @!p0 $0xFFFFFC18  }
0x23: {  	[spmem:s8] =	stream.linear.scatter @!p0 [tilespmem:s20], [sflag:$0x1], $0x3E8, $0x38;
	[tilespmem:$0x7DF8] =	vst v63  }
0x24: {  	_ =	swait.ge @!p0 [sflag:s19], $0x3E8  }
0x25: {  	[sflag:s19] =	ssyncset.done @!p0 $0x0  }
0x26: {  	[sflag:s19] =	ssyncadd.s32 @!p0 $0xFFFFFC18  }
0x27: {  	s20 =	smov.u32 s11;
	s19 =	simm.s32 $0x100;
	[bflag:$0x0] =	sbarrier.arrive $0xFFFF  }
.LBB2_2:
0x28: {  	[tilespmem:s15], [sflag:$0x1] =	stream.linear.gather [hbm4b:s20+s3], $0x50, $0x38;
	[tilespmem:$0x7DF8] =	vst v63  }
0x29: {  	_ =	swait.ge [sflag:s12], $0x50  }
0x2a: {  	[sflag:s12] =	ssyncset.done $0x0  }
0x2b: {  	s21 =	sshra.s32 s19, $0x2;
	[sflag:s12] =	ssyncadd.s32 $0xFFFFFFB0  }
0x2c: {  	v0 =	vld [tilespmem:s21+$0x2740];
	_ =	sdelay $0x6  }
0x2d: {  	v1 =	vld [tilespmem:s21+$0x4EC0]  }
0x2e: {  	v0 =	vld.idx.msk [tilespmem:v0+s3+$0x0], $0xffff;
	_ =	sdelay $0x4  }
0x2f: {  	v0 =	vmul.f32 v1, v0;
	_ =	sdelay $0x1  }
0x30: {  	[tilespmem:$0x7700] =	vst v0  }
0x31: {  	v0 =	vld [tilespmem:s21+$0x2750];
	_ =	sdelay $0x6  }
0x32: {  	v60 =	vld [tilespmem:s21+$0x4ED0]  }
0x33: {  	v0 =	vld.idx.msk [tilespmem:v0+s3+$0x0], $0xffff;
	_ =	sdelay $0x4  }
0x34: {  	v0 =	vmul.f32 v60, v0;
	_ =	sdelay $0x1  }
0x35: {  	[tilespmem:$0x7710] =	vst v0  }
0x36: {  	v0 =	vld [tilespmem:s21+$0x2760];
	_ =	sdelay $0x6  }
0x37: {  	v61 =	vld [tilespmem:s21+$0x4EE0]  }
0x38: {  	v0 =	vld.idx.msk [tilespmem:v0+s3+$0x0], $0xffff;
	_ =	sdelay $0x4  }
0x39: {  	v0 =	vmul.f32 v61, v0;
	_ =	sdelay $0x1  }
0x3a: {  	[tilespmem:$0x7720] =	vst v0  }
0x3b: {  	v0 =	vld [tilespmem:s21+$0x2770];
	_ =	sdelay $0x6  }
0x3c: {  	v62 =	vld [tilespmem:s21+$0x4EF0]  }
0x3d: {  	v0 =	vld.idx.msk [tilespmem:v0+s3+$0x0], $0xffff;
	_ =	sdelay $0x4  }
0x3e: {  	v0 =	vmul.f32 v62, v0;
	_ =	sdelay $0x1  }
0x3f: {  	[tilespmem:$0x7730] =	vst v0  }
0x40: {  	v0 =	vld [tilespmem:s21+$0x2780];
	_ =	sdelay $0x6  }
0x41: {  	v63 =	vld [tilespmem:s21+$0x4F00]  }
0x42: {  	v0 =	vld.idx.msk [tilespmem:v0+s3+$0x0], $0xffff;
	_ =	sdelay $0x4  }
0x43: {  	v0 =	vmul.f32 v63, v0  }
0x44: {  	p1 =	sne.s32 s19, $0x9C00  }
.Ltmp0:
0x45: {  	[tilespmem:$0x7740] =	vst v0;
	(pc) =	sbr.rel @p1 .LBB2_2-.Ltmp0, $4  }
0x46: {  	[spmem:s2] =	stream.indirect.scatter.add.f32 [tilespmem:s17], [sflag:$0x1], $0x1, s15, s16, $0xb8;
	[tilespmem:$0x7DF8] =	vst v63  }
0x47: {  	_ =	swait.ge [sflag:s12], $0x50  }
0x48: {  	[sflag:s12] =	ssyncset.done $0x0  }
0x49: {  	s20 =	sadd.s32 $0xA, s20;
	s19 =	sadd.s32 $0x140, s19;
	[sflag:s12] =	ssyncadd.s32 $0xFFFFFFB0  }
0x4a: {  	[bflag:$0x0] =	sbarrier.arrive $0xFFFF;
	s19 =	simm.s32 @!p0 $0x7780;
	s20 =	simm.s32 @!p0 $0x1  }
0x4b: {  	[tilespmem:s19], [sflag:$0x1] =	stream.linear.gather @!p0 [spmem:s8], $0x3E8, $0x38;
	[tilespmem:$0x7DF8] =	vst v63  }
0x4c: {  	s18 =	sadd.s32 $0x1, s18;
	_ =	swait.ge @!p0 [sflag:s20], $0x3E8  }
0x4d: {  	p1 =	sne.s32 s18, s10;
	[sflag:s20] =	ssyncset.done @!p0 $0x0  }
.Ltmp1:
0x4e: {  	s21 =	simm.s32 @!p0 $0x0;
	[sflag:s20] =	ssyncadd.s32 @!p0 $0xFFFFFC18;
	(pc) =	sbr.rel @p1 .LBB2_1-.Ltmp1, $4  }
0x4f: {  	[hbm4b:s9+s21] =	stream.linear.scatter @!p0 [tilespmem:s19], [sflag:$0x1], $0x3E8, $0x38;
	[tilespmem:$0x7DF8] =	vst v63  }
0x50: {  	_ =	swait.ge @!p0 [sflag:s20], $0x3E8  }
0x51: {  	[sflag:s20] =	ssyncset.done @!p0 $0x0  }
0x52: {  	[sflag:s20] =	ssyncadd.s32 @!p0 $0xFFFFFC18  }
0x53: {  	_ =	sfence.sel $0x180000  }
0x54: {  	[bflag:$0x0] =	sbarrier.arrive $0xFFFF  }
0x55: {  	p0 =	sne.s32 s0, $0x0;
	_ =	strace $0x9000004D  }
0x56: {  	s0 =	sadd.s32 @!p0 $0x100000, s1;
	[bflag:$0x2] =	sbarrier.arrive $0xFFFF  }
0x57: {  	[sflag:s0] =	ssyncadd.tile.s32 @!p0 $0x1;
	_ =	shalt  }
.Lfunc_end2:
_tile_overlayer_lowered:
.L_overlay_start_2:
0x58: {  	(tag) =	ssettag $0x2  }
0x59: {  	s0 =	rddreg [dreg:$0x0];
	s2 =	stileid.u32  }
0x5a: {  	s1 =	rddreg [dreg:$0x1];
	p0 =	sne.s32 s2, $0x0  }
0x5b: {  	s3 =	rddreg [dreg:$0x2];
	[bflag:$0x3] =	sbarrier.arrive $0xFFFF;
	s2 =	simm.s32 @!p0 $0x1C01  }
0x5c: {  	[timem:s3], [sflag:s2] =	dma.local @!p0 [hbm:s0], s1  }
0x5d: {  	s0 =	simm.s32 @!p0 $0x1  }
0x5e: {  	_ =	swait.ge @!p0 [sflag:s0], s1  }
0x5f: {  	s1 =	ssub.s32 @!p0 $0x0, s1;
	[sflag:s0] =	ssyncset.done @!p0 $0x0  }
0x60: {  	[sflag:s0] =	ssyncadd.s32 @!p0 s1  }
0x61: {  	[bflag:$0x3] =	sbarrier.arrive $0xFFFF  }
0x62: {  	_ =	shalt  }

// kernel: kernel.9.cloned.1.call-start
scs
__scs_entry_jumppad:
0x0: {  	(pc) =	sbr.rel $0x88, $3  }
0x1: {  	(tag) =	ssettag $0x0;
	lr =	simm.s32 $0x1  }
0x2: {  	[smem:$0x3F8A] =	sst lr;
	_ =	strace $0xD0000000  }
0x3: {  	_ = 	snop  }
0x4: {  	_ = 	snop  }
0x5: {  	_ = 	snop  }
0x6: {  	_ = 	snop  }
0x7: {  	_ = 	snop  }
__scs_overlays_trampoline_lowered:
0x8: {  	[smem:$0x3F99] =	sst s0  }
0x9: {  	[smem:$0x3F9A] =	sst s1  }
0xa: {  	[smem:$0x3F9B] =	sst s2  }
0xb: {  	[smem:$0x3F9C] =	sst s3  }
0xc: {  	[smem:$0x3F9D] =	sst s4  }
0xd: {  	[smem:$0x3F9E] =	sst s5  }
0xe: {  	[smem:$0x3F9F] =	sst s6  }
0xf: {  	[smem:$0x3FA0] =	sst s7  }
0x10: {  	[smem:$0x3FA1] =	sst s8  }
0x11: {  	[smem:$0x3FA2] =	sst s9;
	s0 =	simm.s32 @!p0 $0x0  }
0x12: {  	s1 =	sld [smem:$0x3F88];
	s0 =	simm.s32 @p0 $0x1  }
0x13: {  	[smem:$0x3FA3] =	sst s0;
	s0 =	simm.s32 @!p1 $0x0  }
0x14: {  	s2 =	sld [smem:$0x3F87];
	s0 =	simm.s32 @p1 $0x1  }
0x15: {  	[smem:$0x3FA4] =	sst s0;
	s0 =	simm.s32 @!p2 $0x0  }
0x16: {  	s3 =	sld [smem:$0x3FDB];
	s0 =	simm.s32 @p2 $0x1  }
0x17: {  	s4 =	simm.s32 $0x1BF5;
	[smem:$0x3FA6] =	sst s0  }
0x18: {  	s0 =	sld [smem:$0x3F89];
	_ =	swait.ge [sflag:s4], $0x0  }
0x19: {  	s7 =	sld [smem:$0x3F8A]  }
0x1a: {  	s8 =	sadd.s32 $0xFFFFE003, lr  }
0x1b: {  	s9 =	sadd.s32 $0xFFFFFEF7, lr;
	s5 =	simm.s32 $0xFFFFFFFF;
	p2 =	slt.u32 s8, $0xFFFFF086  }
0x1c: {  	p1 =	slt.u32 s9, $0xF7A;
	s5 =	simm.s32 @!p2 $0x0  }
0x1d: {  	s5 =	simm.s32 @p1 $0x1;
	p0 =	seq.s32 s7, s2  }
0x1e: {  	s7 =	smul.u32 @!p0 $0xF7A, s2;
	p2 =	seq.s32 @!p0 s5, $0x0  }
0x1f: {  	s9 =	smul.u32 $0xF7A, s1;
	s8 =	simm.s32 @!p0 $0x1BF5;
	p2 =	por !p2, p0  }
0x20: {  	[sflag:s8] =	ssyncset.s32 @!p0 $0xFFFFF086;
	s6 =	sadd.s32 @!p0 s3, s7;
	s7 =	simm.s32 @!p0 $0x108  }
0x21: {  	s3 =	sadd.s32 s3, s9;
	s6 =	sadd.s32 @!p0 $0x88, s6;
	s7 =	simm.s32 @p2 $0x1082  }
0x22: {  	[simem:s7], [sflag:s8] =	dma.local @!p0 [hbm:s6], $0xF7A  }
0x23: {  	s9 =	sor.u32 $0xD0000000, s2;
	s6 =	simm.s32 $0x108;
	_ =	swait.ge @!p0 [sflag:s8], $0x0  }
0x24: {  	s3 =	sadd.s32 $0x88, s3;
	s6 =	simm.s32 @!p1 $0x1082;
	[sflag:s4] =	ssyncset.s32 $0xFFFFF086  }
0x25: {  	[simem:s6], [sflag:s4] =	dma.local [hbm:s3], $0xF7A  }
0x26: {  	[smem:$0x3F8A] =	sst s1;
	(tag) =	ssettag s2;
	_ =	strace s9  }
0x27: {  	s1 =	sld [smem:$0x3F9A]  }
0x28: {  	s2 =	sld [smem:$0x3F9B]  }
0x29: {  	s4 =	sld [smem:$0x3F9D]  }
0x2a: {  	p0 =	seq.s32 s5, $0x0;
	s5 =	sld [smem:$0x3F9E]  }
0x2b: {  	s6 =	sld [smem:$0x3F9F]  }
0x2c: {  	s7 =	sld [smem:$0x3FA0]  }
0x2d: {  	s3 =	simm.s32 $0x108;
	s8 =	sld [smem:$0x3FA1]  }
0x2e: {  	s3 =	simm.s32 @!p0 $0x1082;
	s9 =	sld [smem:$0x3FA2]  }
0x2f: {  	lr =	sadd.s32 s0, s3;
	s0 =	sld [smem:$0x3F99]  }
0x30: {  	s3 =	sld [smem:$0x3F9C]  }
0x31: {  	[smem:$0x3FA5] =	sst s10  }
0x32: {  	s10 =	sld [smem:$0x3FA3];
	_ =	sdelay $0x3  }
0x33: {  	p0 =	seq.s32 s10, $0x1;
	s10 =	sld [smem:$0x3FA5];
	_ =	sdelay $0x3  }
0x34: {  	[smem:$0x3FA5] =	sst s10  }
0x35: {  	s10 =	sld [smem:$0x3FA4];
	_ =	sdelay $0x3  }
0x36: {  	p1 =	seq.s32 s10, $0x1;
	s10 =	sld [smem:$0x3FA5];
	_ =	sdelay $0x3  }
0x37: {  	[smem:$0x3FA5] =	sst s10  }
0x38: {  	s10 =	sld [smem:$0x3FA6]  }
0x39: {  	_ = 	snop;
	(pc) =	sbr.ind lr, $3  }
0x3a: {  	_ = 	snop  }
0x3b: {  	_ = 	snop  }
0x3c: {  	p2 =	seq.s32 s10, $0x1;
	s10 =	sld [smem:$0x3FA5]  }
0x3d: {  	_ =	shalt  }
0x3e: {  	_ =	shalt  }
0x3f: {  	_ =	shalt  }
0x40: {  	_ =	shalt  }
0x41: {  	_ =	shalt  }
0x42: {  	_ =	shalt  }
0x43: {  	_ =	shalt  }
0x44: {  	_ =	shalt  }
0x45: {  	_ =	shalt  }
0x46: {  	_ =	shalt  }
0x47: {  	_ =	shalt  }
0x48: {  	_ =	shalt  }
0x49: {  	_ =	shalt  }
0x4a: {  	_ =	shalt  }
0x4b: {  	_ =	shalt  }
0x4c: {  	_ =	shalt  }
0x4d: {  	_ =	shalt  }
0x4e: {  	_ =	shalt  }
0x4f: {  	_ =	shalt  }
0x50: {  	_ =	shalt  }
0x51: {  	_ =	shalt  }
0x52: {  	_ =	shalt  }
0x53: {  	_ =	shalt  }
0x54: {  	_ =	shalt  }
0x55: {  	_ =	shalt  }
0x56: {  	_ =	shalt  }
0x57: {  	_ =	shalt  }
0x58: {  	_ =	shalt  }
0x59: {  	_ =	shalt  }
0x5a: {  	_ =	shalt  }
0x5b: {  	_ =	shalt  }
0x5c: {  	_ =	shalt  }
0x5d: {  	_ =	shalt  }
0x5e: {  	_ =	shalt  }
0x5f: {  	_ =	shalt  }
0x60: {  	_ =	shalt  }
0x61: {  	_ =	shalt  }
0x62: {  	_ =	shalt  }
0x63: {  	_ =	shalt  }
0x64: {  	_ =	shalt  }
0x65: {  	_ =	shalt  }
0x66: {  	_ =	shalt  }
0x67: {  	_ =	shalt  }
0x68: {  	_ =	shalt  }
0x69: {  	_ =	shalt  }
0x6a: {  	_ =	shalt  }
0x6b: {  	_ =	shalt  }
0x6c: {  	_ =	shalt  }
0x6d: {  	_ =	shalt  }
0x6e: {  	_ =	shalt  }
0x6f: {  	_ =	shalt  }
0x70: {  	_ =	shalt  }
0x71: {  	_ =	shalt  }
0x72: {  	_ =	shalt  }
0x73: {  	_ =	shalt  }
0x74: {  	_ =	shalt  }
0x75: {  	_ =	shalt  }
0x76: {  	_ =	shalt  }
0x77: {  	_ =	shalt  }
0x78: {  	_ =	shalt  }
0x79: {  	_ =	shalt  }
0x7a: {  	_ =	shalt  }
0x7b: {  	_ =	shalt  }
0x7c: {  	_ =	shalt  }
0x7d: {  	_ =	shalt  }
0x7e: {  	_ =	shalt  }
0x7f: {  	_ =	shalt  }
0x80: {  	_ =	shalt  }
0x81: {  	_ =	shalt  }
0x82: {  	_ =	shalt  }
0x83: {  	_ =	shalt  }
0x84: {  	_ =	shalt  }
0x85: {  	_ =	shalt  }
0x86: {  	_ =	shalt  }
0x87: {  	_ =	shalt  }
.Lfunc_end0:
.L_simem_size_0:
called_computation_lowered:
.L_overlay_start_0:
0x88: {  	s2 =	sld [smem:$0x3FD9]  }
0x89: {  	s3 =	sld [smem:$0x3FFE];
	_ =	sdelay $0x1  }
0x8a: {  	s1 =	srdreg.scid  }
0x8b: {  	s0 =	sand.u32 $0x1, s1  }
0x8c: {  	s17 =	sshll.u32 s0, $0xA;
	s2 =	sadd.s32 s3, s2  }
0x8d: {  	s2 =	sadd.s32 s2, s17  }
0x8e: {  	[smem:$0x3FB1] =	sst s2  }
0x8f: {  	_ = 	snop  }
0x90: {  	s2 =	sld [smem:$0x3FC7]  }
0x91: {  	s18 =	sld [smem:$0x3FC6];
	(tm) =	ssettm $0x1  }
0x92: {  	s4 =	sld [smem:$0x3FFB];
	_ =	sdelay $0x3  }
0x93: {  	_ =	strace s4  }
0x94: {  	s4 =	sld [smem:$0x3FFC];
	_ =	sdelay $0x3  }
0x95: {  	_ =	strace s4  }
0x96: {  	s4 =	sld [smem:$0x3FFD];
	_ =	sdelay $0x3  }
0x97: {  	_ =	strace s4  }
0x98: {  	_ =	strace $0x8FFFFFFF  }
0x99: {  	s19 =	sld [smem:$0x3FDB];
	_ =	sdelay $0x1  }
0x9a: {  	s5 =	simm.s32 $_scs_section_size  }
0x9b: {  	s6 =	simm.s32 $_size__tile_overlayer_lowered;
	s7 =	simm.s32 $_tile_overlayer_lowered  }
0x9c: {  	s22 =	simm.s32 $0x1BFF;
	s21 =	sshll.u32 s7, $0x1;
	s4 =	sadd.s32 s5, s19  }
0x9d: {  	s8 =	simm.s32 $0x0;
	s20 =	sshll.u32 s6, $0x1;
	s6 =	sadd.s32 s21, s4  }
0x9e: {  	[timem:s8], [sflag:s22] =	dma.local [hbm:s6], s20  }
0x9f: {  	_ =	swait.ge [sflag:s22], s20  }
0xa0: {  	s5 =	ssub.s32 $0x0, s20;
	[sflag:s22] =	ssyncset.done $0x0  }
0xa1: {  	[sflag:s22] =	ssyncadd.s32 s5;
	_ =	sdelay $0x1  }
0xa2: {  	s23 =	simm.s32 $0x1B8B  }
0xa3: {  	_ =	swait.ge [sflag:s23], $0x1  }
0xa4: {  	[sflag:s23] =	ssyncset.done $0x0  }
0xa5: {  	s25 =	simm.s32 $0x1B8E;
	s24 =	sld [smem:$0x3FFE];
	[sflag:s23] =	ssyncadd.s32 $0xFFFFFFFF  }
0xa6: {  	s26 =	simm.s32 $execute0_lowered;
	[smem:$0x3FD2] =	sst s25  }
0xa7: {  	s6 =	sshll.u32 s26, $0x1;
	_ =	strace $0x80000046;
	[dreg:$0x1] =	wrdreg $0xFFFFFFFF  }
0xa8: {  	s28 =	simm.s32 $_size_execute0_lowered;
	s4 =	sadd.s32 s4, s6;
	[dreg:$0x0] =	wrdreg $0x0  }
0xa9: {  	s6 =	sshll.u32 s28, $0x1;
	[dreg:$0x2] =	wrdreg s4  }
0xaa: {  	[dreg:$0x3] =	wrdreg s6  }
0xab: {  	[dreg:$0x4] =	wrdreg $0xC0  }
0xac: {  	_ =	task [dreg:s8], $0x5FFFF  }
0xad: {  	[dreg:$0x1] =	wrdreg $0xFFFFFFFF  }
0xae: {  	[dreg:$0x0] =	wrdreg $0x60  }
0xaf: {  	[dreg:$0x2] =	wrdreg s24  }
0xb0: {  	[dreg:$0x3] =	wrdreg s2  }
0xb1: {  	[dreg:$0x4] =	wrdreg s18  }
0xb2: {  	[dreg:$0x5] =	wrdreg $0xA8800  }
0xb3: {  	[dreg:$0x6] =	wrdreg $0x9  }
0xb4: {  	_ =	task.clear_ibuf [dreg:s8], $0x7FFFF;
	_ =	strace $0x90000046  }
0xb5: {  	s29 =	simm.s32 $0x9;
	_ =	strace $0x80000048  }
0xb6: {  	_ =	swait.ge [sflag:s29], $0x1  }
0xb7: {  	[sflag:s29] =	ssyncadd.s32 $0xFFFFFFFF  }
0xb8: {  	_ =	strace $0x90000048  }
0xb9: {  	_ =	sfence  }
0xba: {  	s30 =	sld [smem:$0x0];
	_ =	sdelay $0x2  }
0xbb: {  	s31 =	sshll.u32 s1, $0xD;
	s1 =	sshrl.u32 s1, $0x2  }
0xbc: {  	s3 =	sand.u32 $0x4000, s31;
	s1 =	sadd.s32 s1, s30  }
0xbd: {  	s0 =	sor.u32 s3, s0;
	s1 =	sshll.u32 s1, $0x11  }
0xbe: {  	s0 =	sor.u32 s1, s0  }
0xbf: {  	s0 =	sadd.s32 $0x8F2B, s0  }
0xc0: {  	[sflag:s0] =	ssyncadd.remote.s32 $0x1  }
0xc1: {  	_ =	sfence.sel $0xFFFF  }
0xc2: {  	[dreg:$0x0] =	wrdreg $0xFFFFFFFF;
	(pc) =	sbr.abs _section_cstart, $3  }
0xc3: {  	[dreg:$0x1] =	wrdreg $0xFFFFFFFF  }
0xc4: {  	_ =	task.clear_ibuf [dreg:s8], $0x2FFFF;
	_ =	strace $0x9FFFFFFF  }
0xc5: {  	(tm) =	ssettm $0x7FFFFFFF  }
tec
execute0_lowered:
.L_overlay_start_1:
0x0: {  	(tag) =	ssettag $0x1  }
0x1: {  	s8 =	rddreg [dreg:$0x0]  }
0x2: {  	s9 =	rddreg [dreg:$0x1]  }
0x3: {  	s1 =	rddreg [dreg:$0x2]  }
0x4: {  	s2 =	rddreg [dreg:$0x3]  }
0x5: {  	s0 =	rddreg [dreg:$0x4]  }
0x6: {  	s4 =	simm.s32 $0x0;
	s3 =	srdreg.scid;
	s17 =	simm.s32 $0x80  }
0x7: {  	s18 =	simm.s32 $0x2880;
	s19 =	simm.s32 $0x6880;
	s20 =	simm.s32 $0x2780  }
0x8: {  	s21 =	simm.s32 $0x1;
	s22 =	simm.s32 $0x10;
	s10 =	sand.u32 $0x1, s3  }
0x9: {  	s23 =	simm.s32 $0x2700;
	s3 =	stileid.u32;
	s7 =	smul.u32 $0x138800, s10  }
0xa: {  	[smem:$0x7FF] =	sst s4;
	s5 =	sadd.s32 $0x2600, s8;
	s11 =	smul.u32 $0x1F400, s3  }
0xb: {  	_ =	strace $0x80000047;
	s6 =	sshll.u32 s10, $0x4;
	s12 =	smul.u32 $0x3E80, s3  }
0xc: {  	s10 =	ssub.s32 $0x2, s10;
	s24 =	smul.u32 $0x7D000, s3;
	p0 =	sgt.u32 s3, $0x9  }
0xd: {  	s13 =	sor.u32 s3, s6;
	s6 =	sadd.s32 $0x29800, s8;
	s25 =	sshrl.u32 s10, $0x1  }
0xe: {  	s11 =	sadd.s32 s11, s7;
	s7 =	smul.u32 $0x2710, s13;
	s12 =	sadd.s32 s12, s8  }
0xf: {  	s15 =	ssub.s32 s10, s25;
	s28 =	sshrl.u32 s24, $0x2;
	s24 =	simm.s32 $0x2800  }
0x10: {  	s25 =	simm.s32 $0x0;
	s11 =	sshrl.u32 s11, $0x3;
	s16 =	sadd.s32 s28, s2  }
0x11: {  	s13 =	smax.u32 s15, $0x1;
	s15 =	sshll.u32 @!p0 s3, $0x6;
	s14 =	sadd.s32 s11, s8  }
0x12: {  	s26 =	sshrl.u32 s7, $0x3;
	s29 =	sadd.s32 $0x2700, s7;
	s15 =	sor.u32 @!p0 $0x1C02, s15  }
0x13: {  	s16 =	sshrl.u32 @!p0 s16, $0x3;
	s8 =	sadd.s32 s9, s26;
	s9 =	sadd.s32 $0x50B800, s12  }
0x14: {  	s30 =	sshll.u32 s29, $0x4;
	s31 =	sshrl.u32 s29, $0x3;
	s12 =	sadd.s32 $0x532A00, s14  }
0x15: {  	s14 =	simm.s32 $0x2;
	s10 =	sadd.s32 s6, s30;
	s11 =	sadd.s32 s1, s31  }
.LBB2_1:
0x16: {  	[tilespmem:s4], [sflag:$0x2] =	stream.linear.gather [hbm4b:s8+s4], $0x2710, $0x38;
	[tilespmem:$0x1E100] =	vst v63  }
0x17: {  	_ =	swait.ge [sflag:s14], $0x2710  }
0x18: {  	[sflag:s14] =	ssyncset.done $0x0  }
0x19: {  	s26 =	simm.s32 @!p0 $0x2;
	[sflag:s14] =	ssyncadd.s32 $0xFFFFD8F0  }
0x1a: {  	[spmem:s16], [sflag:s15] =	dma.local @!p0 [hbm:s9], $0x3E80  }
0x1b: {  	_ =	swait.ge @!p0 [sflag:s26], $0x3E80  }
0x1c: {  	[sflag:s26] =	ssyncset.done @!p0 $0x0  }
0x1d: {  	[sflag:s26] =	ssyncadd.s32 @!p0 $0xFFFFC180  }
0x1e: {  	s26 =	simm.s32 $0x0;
	[bflag:$0x0] =	sbarrier.arrive $0xFFFF  }
.LBB2_2:
0x1f: {  	s28 =	sshll.u32 s26, $0x7  }
0x20: {  	s29 =	sand.u32 $0x3FFFFF80, s28;
	s28 =	sadd.s32 s7, s28  }
0x21: {  	[tilespmem:s18], [sflag:$0x1] =	stream.indirect.gather [hbm4b:s5+s17], $0x80, s29, s17, $0xb8;
	[tilespmem:$0x1E100] =	vst v63  }
0x22: {  	s29 =	sshll.u32 s28, $0x4  }
0x23: {  	s28 =	sshrl.u32 s28, $0x3;
	s29 =	sadd.s32 s6, s29  }
0x24: {  	[tilespmem:s19], [sflag:$0x1] =	stream.linear.gather [hbm4b:s29+s4], $0x4000, $0x38;
	[tilespmem:$0x1E100] =	vst v63  }
0x25: {  	s28 =	sadd.s32 s1, s28  }
0x26: {  	[tilespmem:s20], [sflag:$0x1] =	stream.linear.gather [hbm4b:s28+s4], $0x80, $0x38;
	[tilespmem:$0x1E100] =	vst v63  }
0x27: {  	_ =	swait.ge [sflag:s21], $0x4000  }
0x28: {  	[sflag:s21] =	ssyncset.done $0x0  }
0x29: {  	[sflag:s21] =	ssyncadd.s32 $0xFFFFC000  }
0x2a: {  	_ =	swait.ge [sflag:s21], $0x4000  }
0x2b: {  	[sflag:s21] =	ssyncset.done $0x0  }
0x2c: {  	[sflag:s21] =	ssyncadd.s32 $0xFFFFC000  }
0x2d: {  	_ =	swait.ge [sflag:s21], $0x80  }
0x2e: {  	[sflag:s21] =	ssyncset.done $0x0  }
0x2f: {  	s28 =	simm.s32 $0x2980;
	[sflag:s21] =	ssyncadd.s32 $0xFFFFFF80  }
0x30: {  	s29 =	simm.s32 $0x6980;
	v0 =	vld [tilespmem:s28+$0x80]  }
0x31: {  	v1 =	vld [tilespmem:s29+$0x80]  }
0x32: {  	v2 =	vld [tilespmem:s28+$0xFFFFFF80]  }
0x33: {  	v3 =	vld [tilespmem:s29+$0xFFFFFF80]  }
0x34: {  	v4 =	vld [tilespmem:s28+$0x0]  }
0x35: {  	v5 =	vld [tilespmem:s29+$0x0]  }
0x36: {  	v6 =	vld [tilespmem:s28+$0xFFFFFF00];
	v0 =	vmul.f32 v1, v0  }
0x37: {  	v1 =	vld [tilespmem:s29+$0xFFFFFF00]  }
0x38: {  	[tilespmem:s28+$0x80] =	vst v0;
	v0 =	vld [tilespmem:s28+$0x90]  }
0x39: {  	v2 =	vmul.f32 v3, v2;
	v3 =	vld [tilespmem:s29+$0x90]  }
0x3a: {  	v7 =	vld [tilespmem:s28+$0xFFFFFF10]  }
0x3b: {  	[tilespmem:s28+$0xFFFFFF80] =	vst v2;
	v2 =	vmul.f32 v5, v4;
	v4 =	vld [tilespmem:s28+$0xFFFFFF90]  }
0x3c: {  	v5 =	vld [tilespmem:s29+$0xFFFFFF90];
	v1 =	vmul.f32 v1, v6  }
0x3d: {  	[tilespmem:s28+$0x0] =	vst v2;
	v2 =	vld [tilespmem:s28+$0x10]  }
0x3e: {  	v6 =	vld [tilespmem:s29+$0x10];
	[tilespmem:s28+$0xFFFFFF00] =	vst v1;
	v0 =	vmul.f32 v3, v0  }
0x3f: {  	v1 =	vld [tilespmem:s29+$0xFFFFFF10]  }
0x40: {  	[tilespmem:s28+$0x90] =	vst v0;
	v0 =	vld [tilespmem:s28+$0xA0]  }
0x41: {  	v3 =	vmul.f32 v5, v4;
	v4 =	vld [tilespmem:s29+$0xA0]  }
0x42: {  	v5 =	vld [tilespmem:s28+$0xFFFFFF20]  }
0x43: {  	[tilespmem:s28+$0xFFFFFF90] =	vst v3;
	v2 =	vmul.f32 v6, v2;
	v3 =	vld [tilespmem:s28+$0xFFFFFFA0]  }
0x44: {  	v6 =	vld [tilespmem:s29+$0xFFFFFFA0];
	v1 =	vmul.f32 v1, v7  }
0x45: {  	[tilespmem:s28+$0x10] =	vst v2;
	v2 =	vld [tilespmem:s28+$0x20]  }
0x46: {  	v7 =	vld [tilespmem:s29+$0x20];
	[tilespmem:s28+$0xFFFFFF10] =	vst v1;
	v0 =	vmul.f32 v4, v0  }
0x47: {  	v1 =	vld [tilespmem:s29+$0xFFFFFF20]  }
0x48: {  	[tilespmem:s28+$0xA0] =	vst v0;
	v0 =	vld [tilespmem:s28+$0xB0]  }
0x49: {  	v3 =	vmul.f32 v6, v3;
	v4 =	vld [tilespmem:s29+$0xB0]  }
0x4a: {  	v6 =	vld [tilespmem:s28+$0xFFFFFF30]  }
0x4b: {  	[tilespmem:s28+$0xFFFFFFA0] =	vst v3;
	v2 =	vmul.f32 v7, v2;
	v3 =	vld [tilespmem:s28+$0xFFFFFFB0]  }
0x4c: {  	v7 =	vld [tilespmem:s29+$0xFFFFFFB0];
	v1 =	vmul.f32 v1, v5  }
0x4d: {  	[tilespmem:s28+$0x20] =	vst v2;
	v2 =	vld [tilespmem:s28+$0x30]  }
0x4e: {  	v5 =	vld [tilespmem:s29+$0x30];
	[tilespmem:s28+$0xFFFFFF20] =	vst v1;
	v0 =	vmul.f32 v4, v0  }
0x4f: {  	v4 =	vld [tilespmem:s29+$0xFFFFFF30]  }
0x50: {  	v8 =	vld [tilespmem:s28+$0xC0];
	[tilespmem:s28+$0xB0] =	vst v0  }
0x51: {  	v1 =	vmul.f32 v7, v3;
	v7 =	vld [tilespmem:s29+$0xC0]  }
0x52: {  	v0 =	vld [tilespmem:s28+$0xFFFFFF40]  }
0x53: {  	[tilespmem:s28+$0xFFFFFFB0] =	vst v1;
	v2 =	vmul.f32 v5, v2;
	v1 =	vld [tilespmem:s28+$0xFFFFFFC0]  }
0x54: {  	v3 =	vld [tilespmem:s29+$0xFFFFFFC0];
	v4 =	vmul.f32 v4, v6  }
0x55: {  	[tilespmem:s28+$0x30] =	vst v2;
	v2 =	vld [tilespmem:s28+$0x40]  }
0x56: {  	[tilespmem:s28+$0xFFFFFF30] =	vst v4;
	v4 =	vld [tilespmem:s29+$0x40];
	v6 =	vmul.f32 v7, v8  }
0x57: {  	s30 =	simm.s32 $0x0;
	s31 =	simm.s32 $0x2B80;
	v5 =	vld [tilespmem:s29+$0xFFFFFF40]  }
.LBB2_3:
0x58: {  	v7 =	vld [tilespmem:s31+$0x80];
	[tilespmem:s28+$0xC0] =	vst v6;
	s29 =	sadd.s32 $0x200, s29  }
0x59: {  	s30 =	sadd.s32 $0x4, s30;
	v6 =	vld [tilespmem:s29+$0x80];
	v1 =	vmul.f32 v3, v1  }
0x5a: {  	p1 =	slt.u32 s30, $0x7C;
	v3 =	vld [tilespmem:s29+$0xFFFFFF00]  }
0x5b: {  	v8 =	vld [tilespmem:s31+$0xFFFFFF80];
	[tilespmem:s28+$0xFFFFFFC0] =	vst v1;
	v1 =	vmul.f32 v4, v2  }
0x5c: {  	v2 =	vld [tilespmem:s29+$0xFFFFFF80];
	v0 =	vmul.f32 v5, v0  }
0x5d: {  	v4 =	vld [tilespmem:s31+$0x0];
	[tilespmem:s28+$0x40] =	vst v1  }
0x5e: {  	v1 =	vld [tilespmem:s29+$0x0];
	v5 =	vmul.f32 v6, v7;
	[tilespmem:s28+$0xFFFFFF40] =	vst v0;
	s28 =	smov.u32 s31  }
0x5f: {  	v0 =	vld [tilespmem:s31+$0xFFFFFF00]  }
0x60: {  	[tilespmem:s31+$0x80] =	vst v5;
	v5 =	vld [tilespmem:s31+$0x90]  }
0x61: {  	v2 =	vmul.f32 v2, v8;
	v6 =	vld [tilespmem:s29+$0x90]  }
0x62: {  	v7 =	vld [tilespmem:s31+$0xFFFFFF10]  }
0x63: {  	[tilespmem:s31+$0xFFFFFF80] =	vst v2;
	v2 =	vld [tilespmem:s31+$0xFFFFFF90];
	v1 =	vmul.f32 v1, v4  }
0x64: {  	v0 =	vmul.f32 v3, v0;
	v3 =	vld [tilespmem:s29+$0xFFFFFF90]  }
0x65: {  	[tilespmem:s31+$0x0] =	vst v1;
	v1 =	vld [tilespmem:s31+$0x10]  }
0x66: {  	[tilespmem:s31+$0xFFFFFF00] =	vst v0;
	v0 =	vld [tilespmem:s29+$0x10];
	v4 =	vmul.f32 v6, v5  }
0x67: {  	v5 =	vld [tilespmem:s29+$0xFFFFFF10]  }
0x68: {  	[tilespmem:s31+$0x90] =	vst v4;
	v4 =	vld [tilespmem:s31+$0xA0]  }
0x69: {  	v2 =	vmul.f32 v3, v2;
	v3 =	vld [tilespmem:s29+$0xA0]  }
0x6a: {  	v6 =	vld [tilespmem:s31+$0xFFFFFF20]  }
0x6b: {  	[tilespmem:s31+$0xFFFFFF90] =	vst v2;
	v2 =	vld [tilespmem:s31+$0xFFFFFFA0];
	v0 =	vmul.f32 v0, v1  }
0x6c: {  	v1 =	vmul.f32 v5, v7;
	v5 =	vld [tilespmem:s29+$0xFFFFFFA0]  }
0x6d: {  	[tilespmem:s31+$0x10] =	vst v0;
	v0 =	vld [tilespmem:s31+$0x20]  }
0x6e: {  	[tilespmem:s31+$0xFFFFFF10] =	vst v1;
	v1 =	vld [tilespmem:s29+$0x20];
	v3 =	vmul.f32 v3, v4  }
0x6f: {  	v4 =	vld [tilespmem:s29+$0xFFFFFF20]  }
0x70: {  	[tilespmem:s31+$0xA0] =	vst v3;
	v3 =	vld [tilespmem:s31+$0xB0]  }
0x71: {  	v2 =	vmul.f32 v5, v2;
	v5 =	vld [tilespmem:s29+$0xB0]  }
0x72: {  	v7 =	vld [tilespmem:s31+$0xFFFFFF30]  }
0x73: {  	[tilespmem:s31+$0xFFFFFFA0] =	vst v2;
	v2 =	vld [tilespmem:s31+$0xFFFFFFB0];
	v0 =	vmul.f32 v1, v0  }
0x74: {  	v1 =	vmul.f32 v4, v6;
	v4 =	vld [tilespmem:s29+$0xFFFFFFB0]  }
0x75: {  	[tilespmem:s31+$0x20] =	vst v0;
	v6 =	vld [tilespmem:s31+$0x30]  }
0x76: {  	[tilespmem:s31+$0xFFFFFF20] =	vst v1;
	v8 =	vld [tilespmem:s29+$0x30];
	v0 =	vmul.f32 v5, v3  }
0x77: {  	v3 =	vld [tilespmem:s29+$0xFFFFFF30]  }
0x78: {  	[tilespmem:s31+$0xB0] =	vst v0;
	v5 =	vld [tilespmem:s31+$0xC0]  }
0x79: {  	v1 =	vmul.f32 v4, v2;
	v9 =	vld [tilespmem:s29+$0xC0]  }
0x7a: {  	v0 =	vld [tilespmem:s31+$0xFFFFFF40]  }
.Ltmp0:
0x7b: {  	[tilespmem:s31+$0xFFFFFFB0] =	vst v1;
	v1 =	vld [tilespmem:s31+$0xFFFFFFC0];
	v2 =	vmul.f32 v8, v6;
	(pc) =	sbr.rel @p1 .LBB2_3-.Ltmp0, $4  }
0x7c: {  	v4 =	vmul.f32 v3, v7;
	v3 =	vld [tilespmem:s29+$0xFFFFFFC0]  }
0x7d: {  	[tilespmem:s31+$0x30] =	vst v2;
	v2 =	vld [tilespmem:s31+$0x40]  }
0x7e: {  	[tilespmem:s31+$0xFFFFFF30] =	vst v4;
	v4 =	vld [tilespmem:s29+$0x40];
	v6 =	vmul.f32 v9, v5  }
0x7f: {  	s31 =	sadd.s32 $0x200, s31;
	v5 =	vld [tilespmem:s29+$0xFFFFFF40]  }
0x80: {  	_ =	sdelay $0x1  }
0x81: {  	v1 =	vmul.f32 v3, v1  }
0x82: {  	[tilespmem:s28+$0xC0] =	vst v6;
	v2 =	vmul.f32 v4, v2  }
0x83: {  	s26 =	sadd.s32 $0x1, s26;
	[tilespmem:s28+$0xFFFFFFC0] =	vst v1;
	v0 =	vmul.f32 v5, v0  }
0x84: {  	p1 =	sne.s32 s26, $0x4E;
	[tilespmem:s28+$0x40] =	vst v2  }
.Ltmp1:
0x85: {  	[tilespmem:s28+$0xFFFFFF40] =	vst v0;
	(pc) =	sbr.rel @p1 .LBB2_2-.Ltmp1, $4  }
0x86: {  	[spmem:s2] =	stream.indirect.scatter.add.f32 [tilespmem:s18], [sflag:$0x2], $0x80, s20, s17, $0xb8;
	[tilespmem:$0x1E100] =	vst v63  }
0x87: {  	_ =	swait.ge [sflag:s14], $0x4000  }
0x88: {  	[sflag:s14] =	ssyncset.done $0x0  }
0x89: {  	[sflag:s14] =	ssyncadd.s32 $0xFFFFC000  }
0x8a: {  	[tilespmem:s18], [sflag:$0x1] =	stream.indirect.gather [hbm4b:s5+s22], $0x80, s23, s22, $0xb8;
	[tilespmem:$0x1E100] =	vst v63  }
0x8b: {  	_ = 	snop  }
0x8c: {  	[tilespmem:s19], [sflag:$0x1] =	stream.linear.gather [hbm4b:s10+s4], $0x800, $0x38;
	[tilespmem:$0x1E100] =	vst v63  }
0x8d: {  	_ = 	snop  }
0x8e: {  	[tilespmem:s24], [sflag:$0x1] =	stream.linear.gather [hbm4b:s11+s4], $0x10, $0x38;
	[tilespmem:$0x1E100] =	vst v63  }
0x8f: {  	_ =	swait.ge [sflag:s21], $0x800  }
0x90: {  	[sflag:s21] =	ssyncset.done $0x0  }
0x91: {  	[sflag:s21] =	ssyncadd.s32 $0xFFFFF800  }
0x92: {  	_ =	swait.ge [sflag:s21], $0x800  }
0x93: {  	[sflag:s21] =	ssyncset.done $0x0  }
0x94: {  	[sflag:s21] =	ssyncadd.s32 $0xFFFFF800  }
0x95: {  	_ =	swait.ge [sflag:s21], $0x10  }
0x96: {  	[sflag:s21] =	ssyncset.done $0x0  }
0x97: {  	s26 =	simm.s32 $0x2980;
	[sflag:s21] =	ssyncadd.s32 $0xFFFFFFF0  }
0x98: {  	s28 =	simm.s32 $0x6980;
	v0 =	vld [tilespmem:s26+$0x80]  }
0x99: {  	v1 =	vld [tilespmem:s28+$0x80]  }
0x9a: {  	v2 =	vld [tilespmem:s26+$0xFFFFFF80]  }
0x9b: {  	v3 =	vld [tilespmem:s28+$0xFFFFFF80]  }
0x9c: {  	v4 =	vld [tilespmem:s26+$0x0]  }
0x9d: {  	v5 =	vld [tilespmem:s28+$0x0]  }
0x9e: {  	v6 =	vld [tilespmem:s26+$0xFFFFFF00];
	v0 =	vmul.f32 v1, v0  }
0x9f: {  	v1 =	vld [tilespmem:s28+$0xFFFFFF00]  }
0xa0: {  	[tilespmem:s26+$0x80] =	vst v0;
	v0 =	vld [tilespmem:s26+$0x90]  }
0xa1: {  	v2 =	vmul.f32 v3, v2;
	v3 =	vld [tilespmem:s28+$0x90]  }
0xa2: {  	v7 =	vld [tilespmem:s26+$0xFFFFFF10]  }
0xa3: {  	[tilespmem:s26+$0xFFFFFF80] =	vst v2;
	v2 =	vmul.f32 v5, v4;
	v4 =	vld [tilespmem:s26+$0xFFFFFF90]  }
0xa4: {  	v5 =	vld [tilespmem:s28+$0xFFFFFF90];
	v1 =	vmul.f32 v1, v6  }
0xa5: {  	[tilespmem:s26+$0x0] =	vst v2;
	v2 =	vld [tilespmem:s26+$0x10]  }
0xa6: {  	v6 =	vld [tilespmem:s28+$0x10];
	[tilespmem:s26+$0xFFFFFF00] =	vst v1;
	v0 =	vmul.f32 v3, v0  }
0xa7: {  	v1 =	vld [tilespmem:s28+$0xFFFFFF10]  }
0xa8: {  	[tilespmem:s26+$0x90] =	vst v0;
	v0 =	vld [tilespmem:s26+$0xA0]  }
0xa9: {  	v3 =	vmul.f32 v5, v4;
	v4 =	vld [tilespmem:s28+$0xA0]  }
0xaa: {  	v5 =	vld [tilespmem:s26+$0xFFFFFF20]  }
0xab: {  	[tilespmem:s26+$0xFFFFFF90] =	vst v3;
	v2 =	vmul.f32 v6, v2;
	v3 =	vld [tilespmem:s26+$0xFFFFFFA0]  }
0xac: {  	v6 =	vld [tilespmem:s28+$0xFFFFFFA0];
	v1 =	vmul.f32 v1, v7  }
0xad: {  	[tilespmem:s26+$0x10] =	vst v2;
	v2 =	vld [tilespmem:s26+$0x20]  }
0xae: {  	v7 =	vld [tilespmem:s28+$0x20];
	[tilespmem:s26+$0xFFFFFF10] =	vst v1;
	v0 =	vmul.f32 v4, v0  }
0xaf: {  	v1 =	vld [tilespmem:s28+$0xFFFFFF20]  }
0xb0: {  	[tilespmem:s26+$0xA0] =	vst v0;
	v0 =	vld [tilespmem:s26+$0xB0]  }
0xb1: {  	v3 =	vmul.f32 v6, v3;
	v4 =	vld [tilespmem:s28+$0xB0]  }
0xb2: {  	v6 =	vld [tilespmem:s26+$0xFFFFFF30]  }
0xb3: {  	[tilespmem:s26+$0xFFFFFFA0] =	vst v3;
	v2 =	vmul.f32 v7, v2;
	v3 =	vld [tilespmem:s26+$0xFFFFFFB0]  }
0xb4: {  	v7 =	vld [tilespmem:s28+$0xFFFFFFB0];
	v1 =	vmul.f32 v1, v5  }
0xb5: {  	[tilespmem:s26+$0x20] =	vst v2;
	v2 =	vld [tilespmem:s26+$0x30]  }
0xb6: {  	v5 =	vld [tilespmem:s28+$0x30];
	[tilespmem:s26+$0xFFFFFF20] =	vst v1;
	v0 =	vmul.f32 v4, v0  }
0xb7: {  	v4 =	vld [tilespmem:s28+$0xFFFFFF30]  }
0xb8: {  	v8 =	vld [tilespmem:s26+$0xC0];
	[tilespmem:s26+$0xB0] =	vst v0  }
0xb9: {  	v1 =	vmul.f32 v7, v3;
	v7 =	vld [tilespmem:s28+$0xC0]  }
0xba: {  	v0 =	vld [tilespmem:s26+$0xFFFFFF40]  }
0xbb: {  	[tilespmem:s26+$0xFFFFFFB0] =	vst v1;
	v2 =	vmul.f32 v5, v2;
	v1 =	vld [tilespmem:s26+$0xFFFFFFC0]  }
0xbc: {  	v3 =	vld [tilespmem:s28+$0xFFFFFFC0];
	v4 =	vmul.f32 v4, v6  }
0xbd: {  	[tilespmem:s26+$0x30] =	vst v2;
	v2 =	vld [tilespmem:s26+$0x40]  }
0xbe: {  	[tilespmem:s26+$0xFFFFFF30] =	vst v4;
	v4 =	vld [tilespmem:s28+$0x40];
	v6 =	vmul.f32 v7, v8  }
0xbf: {  	s29 =	simm.s32 $0x0;
	s30 =	simm.s32 $0x2B80;
	v5 =	vld [tilespmem:s28+$0xFFFFFF40]  }
.LBB2_6:
0xc0: {  	v7 =	vld [tilespmem:s30+$0x80];
	[tilespmem:s26+$0xC0] =	vst v6;
	s28 =	sadd.s32 $0x200, s28  }
0xc1: {  	s29 =	sadd.s32 $0x4, s29;
	v6 =	vld [tilespmem:s28+$0x80];
	v1 =	vmul.f32 v3, v1  }
0xc2: {  	p1 =	slt.u32 s29, $0xC;
	v3 =	vld [tilespmem:s28+$0xFFFFFF00]  }
0xc3: {  	v8 =	vld [tilespmem:s30+$0xFFFFFF80];
	[tilespmem:s26+$0xFFFFFFC0] =	vst v1;
	v1 =	vmul.f32 v4, v2  }
0xc4: {  	v2 =	vld [tilespmem:s28+$0xFFFFFF80];
	v0 =	vmul.f32 v5, v0  }
0xc5: {  	v4 =	vld [tilespmem:s30+$0x0];
	[tilespmem:s26+$0x40] =	vst v1  }
0xc6: {  	v1 =	vld [tilespmem:s28+$0x0];
	v5 =	vmul.f32 v6, v7;
	[tilespmem:s26+$0xFFFFFF40] =	vst v0;
	s26 =	smov.u32 s30  }
0xc7: {  	v0 =	vld [tilespmem:s30+$0xFFFFFF00]  }
0xc8: {  	[tilespmem:s30+$0x80] =	vst v5;
	v5 =	vld [tilespmem:s30+$0x90]  }
0xc9: {  	v2 =	vmul.f32 v2, v8;
	v6 =	vld [tilespmem:s28+$0x90]  }
0xca: {  	v7 =	vld [tilespmem:s30+$0xFFFFFF10]  }
0xcb: {  	[tilespmem:s30+$0xFFFFFF80] =	vst v2;
	v2 =	vld [tilespmem:s30+$0xFFFFFF90];
	v1 =	vmul.f32 v1, v4  }
0xcc: {  	v0 =	vmul.f32 v3, v0;
	v3 =	vld [tilespmem:s28+$0xFFFFFF90]  }
0xcd: {  	[tilespmem:s30+$0x0] =	vst v1;
	v1 =	vld [tilespmem:s30+$0x10]  }
0xce: {  	[tilespmem:s30+$0xFFFFFF00] =	vst v0;
	v0 =	vld [tilespmem:s28+$0x10];
	v4 =	vmul.f32 v6, v5  }
0xcf: {  	v5 =	vld [tilespmem:s28+$0xFFFFFF10]  }
0xd0: {  	[tilespmem:s30+$0x90] =	vst v4;
	v4 =	vld [tilespmem:s30+$0xA0]  }
0xd1: {  	v2 =	vmul.f32 v3, v2;
	v3 =	vld [tilespmem:s28+$0xA0]  }
0xd2: {  	v6 =	vld [tilespmem:s30+$0xFFFFFF20]  }
0xd3: {  	[tilespmem:s30+$0xFFFFFF90] =	vst v2;
	v2 =	vld [tilespmem:s30+$0xFFFFFFA0];
	v0 =	vmul.f32 v0, v1  }
0xd4: {  	v1 =	vmul.f32 v5, v7;
	v5 =	vld [tilespmem:s28+$0xFFFFFFA0]  }
0xd5: {  	[tilespmem:s30+$0x10] =	vst v0;
	v0 =	vld [tilespmem:s30+$0x20]  }
0xd6: {  	[tilespmem:s30+$0xFFFFFF10] =	vst v1;
	v1 =	vld [tilespmem:s28+$0x20];
	v3 =	vmul.f32 v3, v4  }
0xd7: {  	v4 =	vld [tilespmem:s28+$0xFFFFFF20]  }
0xd8: {  	[tilespmem:s30+$0xA0] =	vst v3;
	v3 =	vld [tilespmem:s30+$0xB0]  }
0xd9: {  	v2 =	vmul.f32 v5, v2;
	v5 =	vld [tilespmem:s28+$0xB0]  }
0xda: {  	v7 =	vld [tilespmem:s30+$0xFFFFFF30]  }
0xdb: {  	[tilespmem:s30+$0xFFFFFFA0] =	vst v2;
	v2 =	vld [tilespmem:s30+$0xFFFFFFB0];
	v0 =	vmul.f32 v1, v0  }
0xdc: {  	v1 =	vmul.f32 v4, v6;
	v4 =	vld [tilespmem:s28+$0xFFFFFFB0]  }
0xdd: {  	[tilespmem:s30+$0x20] =	vst v0;
	v6 =	vld [tilespmem:s30+$0x30]  }
0xde: {  	[tilespmem:s30+$0xFFFFFF20] =	vst v1;
	v8 =	vld [tilespmem:s28+$0x30];
	v0 =	vmul.f32 v5, v3  }
0xdf: {  	v3 =	vld [tilespmem:s28+$0xFFFFFF30]  }
0xe0: {  	[tilespmem:s30+$0xB0] =	vst v0;
	v5 =	vld [tilespmem:s30+$0xC0]  }
0xe1: {  	v1 =	vmul.f32 v4, v2;
	v9 =	vld [tilespmem:s28+$0xC0]  }
0xe2: {  	v0 =	vld [tilespmem:s30+$0xFFFFFF40]  }
.Ltmp2:
0xe3: {  	[tilespmem:s30+$0xFFFFFFB0] =	vst v1;
	v1 =	vld [tilespmem:s30+$0xFFFFFFC0];
	v2 =	vmul.f32 v8, v6;
	(pc) =	sbr.rel @p1 .LBB2_6-.Ltmp2, $4  }
0xe4: {  	v4 =	vmul.f32 v3, v7;
	v3 =	vld [tilespmem:s28+$0xFFFFFFC0]  }
0xe5: {  	[tilespmem:s30+$0x30] =	vst v2;
	v2 =	vld [tilespmem:s30+$0x40]  }
0xe6: {  	[tilespmem:s30+$0xFFFFFF30] =	vst v4;
	v4 =	vld [tilespmem:s28+$0x40];
	v6 =	vmul.f32 v9, v5  }
0xe7: {  	s30 =	sadd.s32 $0x200, s30;
	v5 =	vld [tilespmem:s28+$0xFFFFFF40]  }
0xe8: {  	_ =	sdelay $0x1  }
0xe9: {  	v1 =	vmul.f32 v3, v1  }
0xea: {  	[tilespmem:s26+$0xC0] =	vst v6;
	v2 =	vmul.f32 v4, v2  }
0xeb: {  	[tilespmem:s26+$0xFFFFFFC0] =	vst v1;
	v0 =	vmul.f32 v5, v0  }
0xec: {  	[tilespmem:s26+$0x40] =	vst v2  }
0xed: {  	[tilespmem:s26+$0xFFFFFF40] =	vst v0  }
0xee: {  	[spmem:s2] =	stream.indirect.scatter.add.f32 [tilespmem:s18], [sflag:$0x2], $0x80, s24, s22, $0xb8;
	[tilespmem:$0x1E100] =	vst v63  }
0xef: {  	_ =	swait.ge [sflag:s14], $0x800  }
0xf0: {  	s25 =	sadd.s32 $0x1, s25;
	[sflag:s14] =	ssyncset.done $0x0  }
0xf1: {  	p1 =	sne.s32 s25, s13;
	[sflag:s14] =	ssyncadd.s32 $0xFFFFF800  }
.Ltmp3:
0xf2: {  	s26 =	simm.s32 @!p0 $0x2;
	[bflag:$0x0] =	sbarrier.arrive $0xFFFF;
	(pc) =	sbr.rel @p1 .LBB2_1-.Ltmp3, $4  }
0xf3: {  	[hbm:s12], [sflag:s15] =	dma.local @!p0 [spmem:s16], $0x3E80  }
0xf4: {  	_ =	swait.ge @!p0 [sflag:s26], $0x3E80  }
0xf5: {  	[sflag:s26] =	ssyncset.done @!p0 $0x0  }
0xf6: {  	[sflag:s26] =	ssyncadd.s32 @!p0 $0xFFFFC180  }
0xf7: {  	_ =	sfence.sel $0x180000  }
0xf8: {  	[bflag:$0x0] =	sbarrier.arrive $0xFFFF  }
0xf9: {  	p0 =	sne.s32 s3, $0x0;
	_ =	strace $0x90000047  }
0xfa: {  	s0 =	sadd.s32 @!p0 $0x100000, s0;
	[bflag:$0x2] =	sbarrier.arrive $0xFFFF  }
0xfb: {  	[sflag:s0] =	ssyncadd.tile.s32 @!p0 $0x1;
	_ =	shalt  }
.Lfunc_end2:
_tile_overlayer_lowered:
.L_overlay_start_2:
0xfc: {  	(tag) =	ssettag $0x2  }
0xfd: {  	s0 =	rddreg [dreg:$0x0];
	s2 =	stileid.u32  }
0xfe: {  	s1 =	rddreg [dreg:$0x1];
	p0 =	sne.s32 s2, $0x0  }
0xff: {  	s3 =	rddreg [dreg:$0x2];
	[bflag:$0x3] =	sbarrier.arrive $0xFFFF;
	s2 =	simm.s32 @!p0 $0x1C02  }
0x100: {  	[timem:s3], [sflag:s2] =	dma.local @!p0 [hbm:s0], s1  }
0x101: {  	s0 =	simm.s32 @!p0 $0x2  }
0x102: {  	_ =	swait.ge @!p0 [sflag:s0], s1  }
0x103: {  	s1 =	ssub.s32 @!p0 $0x0, s1;
	[sflag:s0] =	ssyncset.done @!p0 $0x0  }
0x104: {  	[sflag:s0] =	ssyncadd.s32 @!p0 s1  }
0x105: {  	[bflag:$0x3] =	sbarrier.arrive $0xFFFF  }
0x106: {  	_ =	shalt  }

</sc_bundles>
